<compile_context>
chip_gen: v7x
topology: tpu7x:2x2x1
jax: 0.10.2.dev20260603
libtpu: 0.0.44.dev20260713+nightly
codegen_flags: <defaults>
</compile_context>

<pallas_src>
import functools

import jax
import jax.numpy as jnp
import numpy as np
from jax import lax
from jax.experimental import pallas as pl
from jax.experimental.pallas import tpu as pltpu
from jax.experimental.pallas import tpu_sc as plsc

B = 4096
NROW = 72
D = 256
NSEL = 6
NC = 2
NS = 16
NW = NC * NS
PER_W = B // NW
IDX_PER_W = NSEL * PER_W
NSLOT = 3

_HANDS = (27, 28, 29, 39, 40, 41)

_mesh = plsc.VectorSubcoreMesh(core_axis_name="c", subcore_axis_name="s")


@functools.partial(
    pl.kernel,
    out_type=jax.ShapeDtypeStruct((NSEL, B, D), jnp.float32),
    mesh=_mesh,
    scratch_types=[
        pltpu.VMEM((IDX_PER_W,), jnp.int32),
        pltpu.VMEM((NSLOT, PER_W, D), jnp.float32),
        pltpu.SemaphoreType.DMA,
        pltpu.SemaphoreType.DMA,
        pltpu.SemaphoreType.DMA,
        pltpu.SemaphoreType.DMA,
        pltpu.SemaphoreType.DMA,
        pltpu.SemaphoreType.DMA,
    ],
)
def _select_hands(x_hbm, out_hbm, idx_v, rowbuf,
                  sg0, sg1, sg2, so0, so1, so2):
    wid = lax.axis_index("s") * NC + lax.axis_index("c")
    wb = wid * PER_W
    sems_g = (sg0, sg1, sg2)
    sems_o = (so0, so1, so2)

    ramp = (wb + lax.iota(jnp.int32, 16)) * NROW
    def fill_idx(j):
        for k in range(PER_W // 16):
            idx_v[pl.ds((j * (PER_W // 16) + k) * 16, 16)] = (
                ramp + (k * 16 * NROW + _HANDS[j])
            )

    def start_gather(j, slot):
        return pltpu.async_copy(
            x_hbm.at[idx_v.at[pl.ds(j * PER_W, PER_W)]],
            rowbuf.at[slot],
            sems_g[slot],
        )

    def start_out(j, slot):
        return pltpu.async_copy(
            rowbuf.at[slot],
            out_hbm.at[j, pl.ds(wb, PER_W)],
            sems_o[slot],
        )

    gather_h = [None] * NSLOT
    out_h = [None] * NSLOT
    fill_idx(0)
    gather_h[0] = start_gather(0, 0)
    fill_idx(1)
    gather_h[1] = start_gather(1, 1)
    for j in range(NSEL):
        slot = j % NSLOT
        nslot = (j + 2) % NSLOT
        if j + 2 < NSEL:
            fill_idx(j + 2)
            if out_h[nslot] is not None:
                out_h[nslot].wait()
            gather_h[nslot] = start_gather(j + 2, nslot)
        gather_h[slot].wait()
        out_h[slot] = start_out(j, slot)
    for h in out_h:
        h.wait()


def kernel(input):
    x2d = input.reshape(B * NROW, D)
    planes = _select_hands(x2d)
    return jnp.swapaxes(planes, 0, 1)

# --- scband reference (transcript-rebuilt; emitter-appended) ---
"""Pipeline reference for scband-select-layer-hands-3169685864840 (READ-ONLY COPY).

The authoritative reference and input builder live on the scoring server;
editing this copy changes nothing except your own understanding.
"""

import jax, jax.numpy as jnp
import numpy as np

HANDS_IDX = jnp.array([9 * 3 + 0, 9 * 3 + 1, 9 * 3 + 2, 13 * 3 + 0, 13 * 3 + 1, 13 * 3 + 2], dtype=jnp.int32)


def setup_inputs(seed: int = 0) -> dict:
    key = jax.random.key(seed)
    x = jax.random.normal(key, (4096, 72, 256), dtype=jnp.float32)
    return {"input": x}


def reference(input):
    # output = input[:, hands_idx, :]
    output = jnp.take(input, HANDS_IDX, axis=1)
    return output

if __name__ == "__main__":
    import jax
    _d = setup_inputs()
    print(jax.jit(kernel)(*tuple(_d.values())))

</pallas_src>

<mosaic_0001>
#map = affine_map<(d0, d1) -> (0, 0)>
#map1 = affine_map<(d0, d1) -> (0, 0, 0)>
module attributes {stable_mosaic.version = 14 : i64} {
  func.func @_select_hands(%arg0: i32, %arg1: i32, %arg2: memref<294912x256xf32, #tpu.memory_space<hbm>>, %arg3: memref<6x4096x256xf32, #tpu.memory_space<hbm>>, %arg4: memref<768xi32, #tpu.memory_space<vmem>>, %arg5: memref<3x128x256xf32, #tpu.memory_space<vmem>>, %arg6: memref<!tpu.dma_semaphore, #tpu.memory_space<semaphore_mem>>, %arg7: memref<!tpu.dma_semaphore, #tpu.memory_space<semaphore_mem>>, %arg8: memref<!tpu.dma_semaphore, #tpu.memory_space<semaphore_mem>>, %arg9: memref<!tpu.dma_semaphore, #tpu.memory_space<semaphore_mem>>, %arg10: memref<!tpu.dma_semaphore, #tpu.memory_space<semaphore_mem>>, %arg11: memref<!tpu.dma_semaphore, #tpu.memory_space<semaphore_mem>>) attributes {dimension_semantics = [#tpu.dimension_semantics<core_parallel>, #tpu.dimension_semantics<subcore_parallel>], iteration_bounds = array<i64: 2, 16>, scalar_prefetch = 0 : i64, scratch_operands = 8 : i64, tpu.core_type = #tpu.core_type<sc_vector_subcore>, window_params = [{transform_indices = #map}, {transform_indices = #map1}]} {
    %mul3A = arith.constant 2 : i32
    %mul3A_0 = arith.muli %arg1, %mul3A : i32
    %add3A = arith.addi %mul3A_0, %arg0 : i32
    %mul3A_1 = arith.constant 128 : i32
    %mul3A_2 = arith.muli %add3A, %mul3A_1 : i32
    %iota3A = tpu.iota {dimensions = array<i32: 0>} : vector<16xi32>
    %add3A_3 = vector.broadcast %mul3A_2 : i32 to vector<16xi32>
    %add3A_4 = arith.addi %add3A_3, %iota3A : vector<16xi32>
    %mul3A_5 = arith.constant 72 : i32
    %mul3A_6 = vector.broadcast %mul3A_5 : i32 to vector<16xi32>
    %mul3A_7 = arith.muli %add3A_4, %mul3A_6 : vector<16xi32>
    %add3A_8 = arith.constant 27 : i32
    %add3A_9 = vector.broadcast %add3A_8 : i32 to vector<16xi32>
    %add3A_10 = arith.addi %mul3A_7, %add3A_9 : vector<16xi32>
    %swap3A = arith.constant 0 : index
    %swap3A_11 = tpu.vector_load %arg4[%swap3A] {strides = array<i32>} : memref<768xi32, #tpu.memory_space<vmem>>, vector<16xi32>,
    %swap3A_12 = vector.shape_cast %swap3A_11 : vector<16xi32> to vector<16xi32>
    %swap3A_13 = vector.shape_cast %add3A_10 : vector<16xi32> to vector<16xi32>
    tpu.vector_store %arg4[%swap3A], %swap3A_13 {strides = array<i32>} : memref<768xi32, #tpu.memory_space<vmem>>, vector<16xi32>,
    %add3A_14 = arith.constant 1179 : i32
    %add3A_15 = vector.broadcast %add3A_14 : i32 to vector<16xi32>
    %add3A_16 = arith.addi %mul3A_7, %add3A_15 : vector<16xi32>
    %swap3A_17 = arith.constant 16 : index
    %swap3A_18 = tpu.vector_load %arg4[%swap3A_17] {strides = array<i32>} : memref<768xi32, #tpu.memory_space<vmem>>, vector<16xi32>,
    %swap3A_19 = vector.shape_cast %swap3A_18 : vector<16xi32> to vector<16xi32>
    %swap3A_20 = vector.shape_cast %add3A_16 : vector<16xi32> to vector<16xi32>
    tpu.vector_store %arg4[%swap3A_17], %swap3A_20 {strides = array<i32>} : memref<768xi32, #tpu.memory_space<vmem>>, vector<16xi32>,
    %add3A_21 = arith.constant 2331 : i32
    %add3A_22 = vector.broadcast %add3A_21 : i32 to vector<16xi32>
    %add3A_23 = arith.addi %mul3A_7, %add3A_22 : vector<16xi32>
    %swap3A_24 = arith.constant 32 : index
    %swap3A_25 = tpu.vector_load %arg4[%swap3A_24] {strides = array<i32>} : memref<768xi32, #tpu.memory_space<vmem>>, vector<16xi32>,
    %swap3A_26 = vector.shape_cast %swap3A_25 : vector<16xi32> to vector<16xi32>
    %swap3A_27 = vector.shape_cast %add3A_23 : vector<16xi32> to vector<16xi32>
    tpu.vector_store %arg4[%swap3A_24], %swap3A_27 {strides = array<i32>} : memref<768xi32, #tpu.memory_space<vmem>>, vector<16xi32>,
    %add3A_28 = arith.constant 3483 : i32
    %add3A_29 = vector.broadcast %add3A_28 : i32 to vector<16xi32>
    %add3A_30 = arith.addi %mul3A_7, %add3A_29 : vector<16xi32>
    %swap3A_31 = arith.constant 48 : index
    %swap3A_32 = tpu.vector_load %arg4[%swap3A_31] {strides = array<i32>} : memref<768xi32, #tpu.memory_space<vmem>>, vector<16xi32>,
    %swap3A_33 = vector.shape_cast %swap3A_32 : vector<16xi32> to vector<16xi32>
    %swap3A_34 = vector.shape_cast %add3A_30 : vector<16xi32> to vector<16xi32>
    tpu.vector_store %arg4[%swap3A_31], %swap3A_34 {strides = array<i32>} : memref<768xi32, #tpu.memory_space<vmem>>, vector<16xi32>,
    %add3A_35 = arith.constant 4635 : i32
    %add3A_36 = vector.broadcast %add3A_35 : i32 to vector<16xi32>
    %add3A_37 = arith.addi %mul3A_7, %add3A_36 : vector<16xi32>
    %swap3A_38 = arith.constant 64 : index
    %swap3A_39 = tpu.vector_load %arg4[%swap3A_38] {strides = array<i32>} : memref<768xi32, #tpu.memory_space<vmem>>, vector<16xi32>,
    %swap3A_40 = vector.shape_cast %swap3A_39 : vector<16xi32> to vector<16xi32>
    %swap3A_41 = vector.shape_cast %add3A_37 : vector<16xi32> to vector<16xi32>
    tpu.vector_store %arg4[%swap3A_38], %swap3A_41 {strides = array<i32>} : memref<768xi32, #tpu.memory_space<vmem>>, vector<16xi32>,
    %add3A_42 = arith.constant 5787 : i32
    %add3A_43 = vector.broadcast %add3A_42 : i32 to vector<16xi32>
    %add3A_44 = arith.addi %mul3A_7, %add3A_43 : vector<16xi32>
    %swap3A_45 = arith.constant 80 : index
    %swap3A_46 = tpu.vector_load %arg4[%swap3A_45] {strides = array<i32>} : memref<768xi32, #tpu.memory_space<vmem>>, vector<16xi32>,
    %swap3A_47 = vector.shape_cast %swap3A_46 : vector<16xi32> to vector<16xi32>
    %swap3A_48 = vector.shape_cast %add3A_44 : vector<16xi32> to vector<16xi32>
    tpu.vector_store %arg4[%swap3A_45], %swap3A_48 {strides = array<i32>} : memref<768xi32, #tpu.memory_space<vmem>>, vector<16xi32>,
    %add3A_49 = arith.constant 6939 : i32
    %add3A_50 = vector.broadcast %add3A_49 : i32 to vector<16xi32>
    %add3A_51 = arith.addi %mul3A_7, %add3A_50 : vector<16xi32>
    %swap3A_52 = arith.constant 96 : index
    %swap3A_53 = tpu.vector_load %arg4[%swap3A_52] {strides = array<i32>} : memref<768xi32, #tpu.memory_space<vmem>>, vector<16xi32>,
    %swap3A_54 = vector.shape_cast %swap3A_53 : vector<16xi32> to vector<16xi32>
    %swap3A_55 = vector.shape_cast %add3A_51 : vector<16xi32> to vector<16xi32>
    tpu.vector_store %arg4[%swap3A_52], %swap3A_55 {strides = array<i32>} : memref<768xi32, #tpu.memory_space<vmem>>, vector<16xi32>,
    %add3A_56 = arith.constant 8091 : i32
    %add3A_57 = vector.broadcast %add3A_56 : i32 to vector<16xi32>
    %add3A_58 = arith.addi %mul3A_7, %add3A_57 : vector<16xi32>
    %swap3A_59 = arith.constant 112 : index
    %swap3A_60 = tpu.vector_load %arg4[%swap3A_59] {strides = array<i32>} : memref<768xi32, #tpu.memory_space<vmem>>, vector<16xi32>,
    %swap3A_61 = vector.shape_cast %swap3A_60 : vector<16xi32> to vector<16xi32>
    %swap3A_62 = vector.shape_cast %add3A_58 : vector<16xi32> to vector<16xi32>
    tpu.vector_store %arg4[%swap3A_59], %swap3A_62 {strides = array<i32>} : memref<768xi32, #tpu.memory_space<vmem>>, vector<16xi32>,
    %dma_start3A = arith.constant 0 : i32
    %dma_start3A_63 = arith.constant 0 : i32
    %dma_start3A_64 = arith.constant 0 : i32
    %dma_start3A_65 = tpu.memref_slice %arg5[%dma_start3A, %dma_start3A_63, %dma_start3A_64] : memref<3x128x256xf32, #tpu.memory_space<vmem>> -> memref<1x128x256xf32, #tpu.memory_space<vmem>>
    %dma_start3A_66 = tpu.memref_squeeze %dma_start3A_65 : memref<1x128x256xf32, #tpu.memory_space<vmem>> -> memref<128x256xf32, #tpu.memory_space<vmem>>
    %dma_start3A_67 = arith.constant 0 : i32
    %dma_start3A_68 = tpu.memref_slice %arg4[%dma_start3A_67] : memref<768xi32, #tpu.memory_space<vmem>> -> memref<128xi32, #tpu.memory_space<vmem>>
    %dma_start3A_69 = arith.constant 0 : i32
    %dma_start3A_70 = arith.constant 0 : i32
    %dma_start3A_71 = tpu.memref_slice %arg2[%dma_start3A_69, %dma_start3A_70] : memref<294912x256xf32, #tpu.memory_space<hbm>> -> memref<294912x256xf32, #tpu.memory_space<hbm>>
    tpu.enqueue_indirect_dma source(%dma_start3A_71 : memref<294912x256xf32, #tpu.memory_space<hbm>>) target(%dma_start3A_66 : memref<128x256xf32, #tpu.memory_space<vmem>>) offsets(%dma_start3A_68 : memref<128xi32, #tpu.memory_space<vmem>>) semaphore(%arg6 : memref<!tpu.dma_semaphore, #tpu.memory_space<semaphore_mem>>)
    %add3A_72 = arith.constant 28 : i32
    %add3A_73 = vector.broadcast %add3A_72 : i32 to vector<16xi32>
    %add3A_74 = arith.addi %mul3A_7, %add3A_73 : vector<16xi32>
    %swap3A_75 = arith.constant 128 : index
    %swap3A_76 = tpu.vector_load %arg4[%swap3A_75] {strides = array<i32>} : memref<768xi32, #tpu.memory_space<vmem>>, vector<16xi32>,
    %swap3A_77 = vector.shape_cast %swap3A_76 : vector<16xi32> to vector<16xi32>
    %swap3A_78 = vector.shape_cast %add3A_74 : vector<16xi32> to vector<16xi32>
    tpu.vector_store %arg4[%swap3A_75], %swap3A_78 {strides = array<i32>} : memref<768xi32, #tpu.memory_space<vmem>>, vector<16xi32>,
    %add3A_79 = arith.constant 1180 : i32
    %add3A_80 = vector.broadcast %add3A_79 : i32 to vector<16xi32>
    %add3A_81 = arith.addi %mul3A_7, %add3A_80 : vector<16xi32>
    %swap3A_82 = arith.constant 144 : index
    %swap3A_83 = tpu.vector_load %arg4[%swap3A_82] {strides = array<i32>} : memref<768xi32, #tpu.memory_space<vmem>>, vector<16xi32>,
    %swap3A_84 = vector.shape_cast %swap3A_83 : vector<16xi32> to vector<16xi32>
    %swap3A_85 = vector.shape_cast %add3A_81 : vector<16xi32> to vector<16xi32>
    tpu.vector_store %arg4[%swap3A_82], %swap3A_85 {strides = array<i32>} : memref<768xi32, #tpu.memory_space<vmem>>, vector<16xi32>,
    %add3A_86 = arith.constant 2332 : i32
    %add3A_87 = vector.broadcast %add3A_86 : i32 to vector<16xi32>
    %add3A_88 = arith.addi %mul3A_7, %add3A_87 : vector<16xi32>
    %swap3A_89 = arith.constant 160 : index
    %swap3A_90 = tpu.vector_load %arg4[%swap3A_89] {strides = array<i32>} : memref<768xi32, #tpu.memory_space<vmem>>, vector<16xi32>,
    %swap3A_91 = vector.shape_cast %swap3A_90 : vector<16xi32> to vector<16xi32>
    %swap3A_92 = vector.shape_cast %add3A_88 : vector<16xi32> to vector<16xi32>
    tpu.vector_store %arg4[%swap3A_89], %swap3A_92 {strides = array<i32>} : memref<768xi32, #tpu.memory_space<vmem>>, vector<16xi32>,
    %add3A_93 = arith.constant 3484 : i32
    %add3A_94 = vector.broadcast %add3A_93 : i32 to vector<16xi32>
    %add3A_95 = arith.addi %mul3A_7, %add3A_94 : vector<16xi32>
    %swap3A_96 = arith.constant 176 : index
    %swap3A_97 = tpu.vector_load %arg4[%swap3A_96] {strides = array<i32>} : memref<768xi32, #tpu.memory_space<vmem>>, vector<16xi32>,
    %swap3A_98 = vector.shape_cast %swap3A_97 : vector<16xi32> to vector<16xi32>
    %swap3A_99 = vector.shape_cast %add3A_95 : vector<16xi32> to vector<16xi32>
    tpu.vector_store %arg4[%swap3A_96], %swap3A_99 {strides = array<i32>} : memref<768xi32, #tpu.memory_space<vmem>>, vector<16xi32>,
    %add3A_100 = arith.constant 4636 : i32
    %add3A_101 = vector.broadcast %add3A_100 : i32 to vector<16xi32>
    %add3A_102 = arith.addi %mul3A_7, %add3A_101 : vector<16xi32>
    %swap3A_103 = arith.constant 192 : index
    %swap3A_104 = tpu.vector_load %arg4[%swap3A_103] {strides = array<i32>} : memref<768xi32, #tpu.memory_space<vmem>>, vector<16xi32>,
    %swap3A_105 = vector.shape_cast %swap3A_104 : vector<16xi32> to vector<16xi32>
    %swap3A_106 = vector.shape_cast %add3A_102 : vector<16xi32> to vector<16xi32>
    tpu.vector_store %arg4[%swap3A_103], %swap3A_106 {strides = array<i32>} : memref<768xi32, #tpu.memory_space<vmem>>, vector<16xi32>,
    %add3A_107 = arith.constant 5788 : i32
    %add3A_108 = vector.broadcast %add3A_107 : i32 to vector<16xi32>
    %add3A_109 = arith.addi %mul3A_7, %add3A_108 : vector<16xi32>
    %swap3A_110 = arith.constant 208 : index
    %swap3A_111 = tpu.vector_load %arg4[%swap3A_110] {strides = array<i32>} : memref<768xi32, #tpu.memory_space<vmem>>, vector<16xi32>,
    %swap3A_112 = vector.shape_cast %swap3A_111 : vector<16xi32> to vector<16xi32>
    %swap3A_113 = vector.shape_cast %add3A_109 : vector<16xi32> to vector<16xi32>
    tpu.vector_store %arg4[%swap3A_110], %swap3A_113 {strides = array<i32>} : memref<768xi32, #tpu.memory_space<vmem>>, vector<16xi32>,
    %add3A_114 = arith.constant 6940 : i32
    %add3A_115 = vector.broadcast %add3A_114 : i32 to vector<16xi32>
    %add3A_116 = arith.addi %mul3A_7, %add3A_115 : vector<16xi32>
    %swap3A_117 = arith.constant 224 : index
    %swap3A_118 = tpu.vector_load %arg4[%swap3A_117] {strides = array<i32>} : memref<768xi32, #tpu.memory_space<vmem>>, vector<16xi32>,
    %swap3A_119 = vector.shape_cast %swap3A_118 : vector<16xi32> to vector<16xi32>
    %swap3A_120 = vector.shape_cast %add3A_116 : vector<16xi32> to vector<16xi32>
    tpu.vector_store %arg4[%swap3A_117], %swap3A_120 {strides = array<i32>} : memref<768xi32, #tpu.memory_space<vmem>>, vector<16xi32>,
    %add3A_121 = arith.constant 8092 : i32
    %add3A_122 = vector.broadcast %add3A_121 : i32 to vector<16xi32>
    %add3A_123 = arith.addi %mul3A_7, %add3A_122 : vector<16xi32>
    %swap3A_124 = arith.constant 240 : index
    %swap3A_125 = tpu.vector_load %arg4[%swap3A_124] {strides = array<i32>} : memref<768xi32, #tpu.memory_space<vmem>>, vector<16xi32>,
    %swap3A_126 = vector.shape_cast %swap3A_125 : vector<16xi32> to vector<16xi32>
    %swap3A_127 = vector.shape_cast %add3A_123 : vector<16xi32> to vector<16xi32>
    tpu.vector_store %arg4[%swap3A_124], %swap3A_127 {strides = array<i32>} : memref<768xi32, #tpu.memory_space<vmem>>, vector<16xi32>,
    %dma_start3A_128 = arith.constant 1 : i32
    %dma_start3A_129 = arith.constant 0 : i32
    %dma_start3A_130 = arith.constant 0 : i32
    %dma_start3A_131 = tpu.memref_slice %arg5[%dma_start3A_128, %dma_start3A_129, %dma_start3A_130] : memref<3x128x256xf32, #tpu.memory_space<vmem>> -> memref<1x128x256xf32, #tpu.memory_space<vmem>>
    %dma_start3A_132 = tpu.memref_squeeze %dma_start3A_131 : memref<1x128x256xf32, #tpu.memory_space<vmem>> -> memref<128x256xf32, #tpu.memory_space<vmem>>
    %dma_start3A_133 = arith.constant 128 : i32
    %dma_start3A_134 = tpu.memref_slice %arg4[%dma_start3A_133] : memref<768xi32, #tpu.memory_space<vmem>> -> memref<128xi32, #tpu.memory_space<vmem>>
    %dma_start3A_135 = arith.constant 0 : i32
    %dma_start3A_136 = arith.constant 0 : i32
    %dma_start3A_137 = tpu.memref_slice %arg2[%dma_start3A_135, %dma_start3A_136] : memref<294912x256xf32, #tpu.memory_space<hbm>> -> memref<294912x256xf32, #tpu.memory_space<hbm>>
    tpu.enqueue_indirect_dma source(%dma_start3A_137 : memref<294912x256xf32, #tpu.memory_space<hbm>>) target(%dma_start3A_132 : memref<128x256xf32, #tpu.memory_space<vmem>>) offsets(%dma_start3A_134 : memref<128xi32, #tpu.memory_space<vmem>>) semaphore(%arg7 : memref<!tpu.dma_semaphore, #tpu.memory_space<semaphore_mem>>)
    %add3A_138 = arith.constant 29 : i32
    %add3A_139 = vector.broadcast %add3A_138 : i32 to vector<16xi32>
    %add3A_140 = arith.addi %mul3A_7, %add3A_139 : vector<16xi32>
    %swap3A_141 = arith.constant 256 : index
    %swap3A_142 = tpu.vector_load %arg4[%swap3A_141] {strides = array<i32>} : memref<768xi32, #tpu.memory_space<vmem>>, vector<16xi32>,
    %swap3A_143 = vector.shape_cast %swap3A_142 : vector<16xi32> to vector<16xi32>
    %swap3A_144 = vector.shape_cast %add3A_140 : vector<16xi32> to vector<16xi32>
    tpu.vector_store %arg4[%swap3A_141], %swap3A_144 {strides = array<i32>} : memref<768xi32, #tpu.memory_space<vmem>>, vector<16xi32>,
    %add3A_145 = arith.constant 1181 : i32
    %add3A_146 = vector.broadcast %add3A_145 : i32 to vector<16xi32>
    %add3A_147 = arith.addi %mul3A_7, %add3A_146 : vector<16xi32>
    %swap3A_148 = arith.constant 272 : index
    %swap3A_149 = tpu.vector_load %arg4[%swap3A_148] {strides = array<i32>} : memref<768xi32, #tpu.memory_space<vmem>>, vector<16xi32>,
    %swap3A_150 = vector.shape_cast %swap3A_149 : vector<16xi32> to vector<16xi32>
    %swap3A_151 = vector.shape_cast %add3A_147 : vector<16xi32> to vector<16xi32>
    tpu.vector_store %arg4[%swap3A_148], %swap3A_151 {strides = array<i32>} : memref<768xi32, #tpu.memory_space<vmem>>, vector<16xi32>,
    %add3A_152 = arith.constant 2333 : i32
    %add3A_153 = vector.broadcast %add3A_152 : i32 to vector<16xi32>
    %add3A_154 = arith.addi %mul3A_7, %add3A_153 : vector<16xi32>
    %swap3A_155 = arith.constant 288 : index
    %swap3A_156 = tpu.vector_load %arg4[%swap3A_155] {strides = array<i32>} : memref<768xi32, #tpu.memory_space<vmem>>, vector<16xi32>,
    %swap3A_157 = vector.shape_cast %swap3A_156 : vector<16xi32> to vector<16xi32>
    %swap3A_158 = vector.shape_cast %add3A_154 : vector<16xi32> to vector<16xi32>
    tpu.vector_store %arg4[%swap3A_155], %swap3A_158 {strides = array<i32>} : memref<768xi32, #tpu.memory_space<vmem>>, vector<16xi32>,
    %add3A_159 = arith.constant 3485 : i32
    %add3A_160 = vector.broadcast %add3A_159 : i32 to vector<16xi32>
    %add3A_161 = arith.addi %mul3A_7, %add3A_160 : vector<16xi32>
    %swap3A_162 = arith.constant 304 : index
    %swap3A_163 = tpu.vector_load %arg4[%swap3A_162] {strides = array<i32>} : memref<768xi32, #tpu.memory_space<vmem>>, vector<16xi32>,
    %swap3A_164 = vector.shape_cast %swap3A_163 : vector<16xi32> to vector<16xi32>
    %swap3A_165 = vector.shape_cast %add3A_161 : vector<16xi32> to vector<16xi32>
    tpu.vector_store %arg4[%swap3A_162], %swap3A_165 {strides = array<i32>} : memref<768xi32, #tpu.memory_space<vmem>>, vector<16xi32>,
    %add3A_166 = arith.constant 4637 : i32
    %add3A_167 = vector.broadcast %add3A_166 : i32 to vector<16xi32>
    %add3A_168 = arith.addi %mul3A_7, %add3A_167 : vector<16xi32>
    %swap3A_169 = arith.constant 320 : index
    %swap3A_170 = tpu.vector_load %arg4[%swap3A_169] {strides = array<i32>} : memref<768xi32, #tpu.memory_space<vmem>>, vector<16xi32>,
    %swap3A_171 = vector.shape_cast %swap3A_170 : vector<16xi32> to vector<16xi32>
    %swap3A_172 = vector.shape_cast %add3A_168 : vector<16xi32> to vector<16xi32>
    tpu.vector_store %arg4[%swap3A_169], %swap3A_172 {strides = array<i32>} : memref<768xi32, #tpu.memory_space<vmem>>, vector<16xi32>,
    %add3A_173 = arith.constant 5789 : i32
    %add3A_174 = vector.broadcast %add3A_173 : i32 to vector<16xi32>
    %add3A_175 = arith.addi %mul3A_7, %add3A_174 : vector<16xi32>
    %swap3A_176 = arith.constant 336 : index
    %swap3A_177 = tpu.vector_load %arg4[%swap3A_176] {strides = array<i32>} : memref<768xi32, #tpu.memory_space<vmem>>, vector<16xi32>,
    %swap3A_178 = vector.shape_cast %swap3A_177 : vector<16xi32> to vector<16xi32>
    %swap3A_179 = vector.shape_cast %add3A_175 : vector<16xi32> to vector<16xi32>
    tpu.vector_store %arg4[%swap3A_176], %swap3A_179 {strides = array<i32>} : memref<768xi32, #tpu.memory_space<vmem>>, vector<16xi32>,
    %add3A_180 = arith.constant 6941 : i32
    %add3A_181 = vector.broadcast %add3A_180 : i32 to vector<16xi32>
    %add3A_182 = arith.addi %mul3A_7, %add3A_181 : vector<16xi32>
    %swap3A_183 = arith.constant 352 : index
    %swap3A_184 = tpu.vector_load %arg4[%swap3A_183] {strides = array<i32>} : memref<768xi32, #tpu.memory_space<vmem>>, vector<16xi32>,
    %swap3A_185 = vector.shape_cast %swap3A_184 : vector<16xi32> to vector<16xi32>
    %swap3A_186 = vector.shape_cast %add3A_182 : vector<16xi32> to vector<16xi32>
    tpu.vector_store %arg4[%swap3A_183], %swap3A_186 {strides = array<i32>} : memref<768xi32, #tpu.memory_space<vmem>>, vector<16xi32>,
    %add3A_187 = arith.constant 8093 : i32
    %add3A_188 = vector.broadcast %add3A_187 : i32 to vector<16xi32>
    %add3A_189 = arith.addi %mul3A_7, %add3A_188 : vector<16xi32>
    %swap3A_190 = arith.constant 368 : index
    %swap3A_191 = tpu.vector_load %arg4[%swap3A_190] {strides = array<i32>} : memref<768xi32, #tpu.memory_space<vmem>>, vector<16xi32>,
    %swap3A_192 = vector.shape_cast %swap3A_191 : vector<16xi32> to vector<16xi32>
    %swap3A_193 = vector.shape_cast %add3A_189 : vector<16xi32> to vector<16xi32>
    tpu.vector_store %arg4[%swap3A_190], %swap3A_193 {strides = array<i32>} : memref<768xi32, #tpu.memory_space<vmem>>, vector<16xi32>,
    %dma_start3A_194 = arith.constant 2 : i32
    %dma_start3A_195 = arith.constant 0 : i32
    %dma_start3A_196 = arith.constant 0 : i32
    %dma_start3A_197 = tpu.memref_slice %arg5[%dma_start3A_194, %dma_start3A_195, %dma_start3A_196] : memref<3x128x256xf32, #tpu.memory_space<vmem>> -> memref<1x128x256xf32, #tpu.memory_space<vmem>>
    %dma_start3A_198 = tpu.memref_squeeze %dma_start3A_197 : memref<1x128x256xf32, #tpu.memory_space<vmem>> -> memref<128x256xf32, #tpu.memory_space<vmem>>
    %dma_start3A_199 = arith.constant 256 : i32
    %dma_start3A_200 = tpu.memref_slice %arg4[%dma_start3A_199] : memref<768xi32, #tpu.memory_space<vmem>> -> memref<128xi32, #tpu.memory_space<vmem>>
    %dma_start3A_201 = arith.constant 0 : i32
    %dma_start3A_202 = arith.constant 0 : i32
    %dma_start3A_203 = tpu.memref_slice %arg2[%dma_start3A_201, %dma_start3A_202] : memref<294912x256xf32, #tpu.memory_space<hbm>> -> memref<294912x256xf32, #tpu.memory_space<hbm>>
    tpu.enqueue_indirect_dma source(%dma_start3A_203 : memref<294912x256xf32, #tpu.memory_space<hbm>>) target(%dma_start3A_198 : memref<128x256xf32, #tpu.memory_space<vmem>>) offsets(%dma_start3A_200 : memref<128xi32, #tpu.memory_space<vmem>>) semaphore(%arg8 : memref<!tpu.dma_semaphore, #tpu.memory_space<semaphore_mem>>)
    %dma_wait3A = arith.constant 0 : i32
    %dma_wait3A_204 = arith.constant 0 : i32
    %dma_wait3A_205 = arith.constant 0 : i32
    %dma_wait3A_206 = tpu.memref_slice %arg5[%dma_wait3A, %dma_wait3A_204, %dma_wait3A_205] : memref<3x128x256xf32, #tpu.memory_space<vmem>> -> memref<1x128x256xf32, #tpu.memory_space<vmem>>
    %dma_wait3A_207 = tpu.memref_squeeze %dma_wait3A_206 : memref<1x128x256xf32, #tpu.memory_space<vmem>> -> memref<128x256xf32, #tpu.memory_space<vmem>>
    %dma_wait3A_208 = arith.constant 0 : i32
    %dma_wait3A_209 = tpu.memref_slice %arg4[%dma_wait3A_208] : memref<768xi32, #tpu.memory_space<vmem>> -> memref<128xi32, #tpu.memory_space<vmem>>
    %dma_wait3A_210 = arith.constant 0 : i32
    %dma_wait3A_211 = arith.constant 0 : i32
    %dma_wait3A_212 = tpu.memref_slice %arg2[%dma_wait3A_210, %dma_wait3A_211] : memref<294912x256xf32, #tpu.memory_space<hbm>> -> memref<294912x256xf32, #tpu.memory_space<hbm>>
    tpu.wait_indirect_dma semaphore(%arg6 : memref<!tpu.dma_semaphore, #tpu.memory_space<semaphore_mem>>) src(%dma_wait3A_212 : memref<294912x256xf32, #tpu.memory_space<hbm>>) dst(%dma_wait3A_207 : memref<128x256xf32, #tpu.memory_space<vmem>>)
    %dma_start3A_213 = arith.constant 0 : i32
    %dma_start3A_214 = arith.constant 0 : i32
    %dma_start3A_215 = arith.constant 0 : i32
    %dma_start3A_216 = arith.constant 0 : i32
    %dma_start3A_217 = tpu.memref_slice %arg5[%dma_start3A_213, %dma_start3A_215, %dma_start3A_216] : memref<3x128x256xf32, #tpu.memory_space<vmem>> -> memref<1x128x256xf32, #tpu.memory_space<vmem>>
    %dma_start3A_218 = tpu.memref_squeeze %dma_start3A_217 : memref<1x128x256xf32, #tpu.memory_space<vmem>> -> memref<128x256xf32, #tpu.memory_space<vmem>>
    %dma_start3A_219 = arith.constant 0 : i32
    %dma_start3A_220 = tpu.memref_slice %arg3[%dma_start3A_214, %mul3A_2, %dma_start3A_219] : memref<6x4096x256xf32, #tpu.memory_space<hbm>> -> memref<1x128x256xf32, #tpu.memory_space<hbm>>
    %dma_start3A_221 = tpu.memref_squeeze %dma_start3A_220 : memref<1x128x256xf32, #tpu.memory_space<hbm>> -> memref<128x256xf32, #tpu.memory_space<hbm>>
    %dma_start3A_222 = arith.constant 0 : i32
    %dma_start3A_223 = tpu.memref_slice %arg3[%dma_start3A_214, %mul3A_2, %dma_start3A_222] : memref<6x4096x256xf32, #tpu.memory_space<hbm>> -> memref<1x128x256xf32, #tpu.memory_space<hbm>>
    %dma_start3A_224 = tpu.memref_squeeze %dma_start3A_223 : memref<1x128x256xf32, #tpu.memory_space<hbm>> -> memref<128x256xf32, #tpu.memory_space<hbm>>
    %dma_start3A_225 = arith.constant 0 : i32
    %dma_start3A_226 = arith.constant 0 : i32
    %dma_start3A_227 = tpu.memref_slice %arg5[%dma_start3A_213, %dma_start3A_225, %dma_start3A_226] : memref<3x128x256xf32, #tpu.memory_space<vmem>> -> memref<1x128x256xf32, #tpu.memory_space<vmem>>
    %dma_start3A_228 = tpu.memref_squeeze %dma_start3A_227 : memref<1x128x256xf32, #tpu.memory_space<vmem>> -> memref<128x256xf32, #tpu.memory_space<vmem>>
    tpu.enqueue_dma source(%dma_start3A_228 : memref<128x256xf32, #tpu.memory_space<vmem>>) target(%dma_start3A_224 : memref<128x256xf32, #tpu.memory_space<hbm>>) target_semaphore(%arg9 : memref<!tpu.dma_semaphore, #tpu.memory_space<semaphore_mem>>)
    %add3A_229 = arith.constant 39 : i32
    %add3A_230 = vector.broadcast %add3A_229 : i32 to vector<16xi32>
    %add3A_231 = arith.addi %mul3A_7, %add3A_230 : vector<16xi32>
    %swap3A_232 = arith.constant 384 : index
    %swap3A_233 = tpu.vector_load %arg4[%swap3A_232] {strides = array<i32>} : memref<768xi32, #tpu.memory_space<vmem>>, vector<16xi32>,
    %swap3A_234 = vector.shape_cast %swap3A_233 : vector<16xi32> to vector<16xi32>
    %swap3A_235 = vector.shape_cast %add3A_231 : vector<16xi32> to vector<16xi32>
    tpu.vector_store %arg4[%swap3A_232], %swap3A_235 {strides = array<i32>} : memref<768xi32, #tpu.memory_space<vmem>>, vector<16xi32>,
    %add3A_236 = arith.constant 1191 : i32
    %add3A_237 = vector.broadcast %add3A_236 : i32 to vector<16xi32>
    %add3A_238 = arith.addi %mul3A_7, %add3A_237 : vector<16xi32>
    %swap3A_239 = arith.constant 400 : index
    %swap3A_240 = tpu.vector_load %arg4[%swap3A_239] {strides = array<i32>} : memref<768xi32, #tpu.memory_space<vmem>>, vector<16xi32>,
    %swap3A_241 = vector.shape_cast %swap3A_240 : vector<16xi32> to vector<16xi32>
    %swap3A_242 = vector.shape_cast %add3A_238 : vector<16xi32> to vector<16xi32>
    tpu.vector_store %arg4[%swap3A_239], %swap3A_242 {strides = array<i32>} : memref<768xi32, #tpu.memory_space<vmem>>, vector<16xi32>,
    %add3A_243 = arith.constant 2343 : i32
    %add3A_244 = vector.broadcast %add3A_243 : i32 to vector<16xi32>
    %add3A_245 = arith.addi %mul3A_7, %add3A_244 : vector<16xi32>
    %swap3A_246 = arith.constant 416 : index
    %swap3A_247 = tpu.vector_load %arg4[%swap3A_246] {strides = array<i32>} : memref<768xi32, #tpu.memory_space<vmem>>, vector<16xi32>,
    %swap3A_248 = vector.shape_cast %swap3A_247 : vector<16xi32> to vector<16xi32>
    %swap3A_249 = vector.shape_cast %add3A_245 : vector<16xi32> to vector<16xi32>
    tpu.vector_store %arg4[%swap3A_246], %swap3A_249 {strides = array<i32>} : memref<768xi32, #tpu.memory_space<vmem>>, vector<16xi32>,
    %add3A_250 = arith.constant 3495 : i32
    %add3A_251 = vector.broadcast %add3A_250 : i32 to vector<16xi32>
    %add3A_252 = arith.addi %mul3A_7, %add3A_251 : vector<16xi32>
    %swap3A_253 = arith.constant 432 : index
    %swap3A_254 = tpu.vector_load %arg4[%swap3A_253] {strides = array<i32>} : memref<768xi32, #tpu.memory_space<vmem>>, vector<16xi32>,
    %swap3A_255 = vector.shape_cast %swap3A_254 : vector<16xi32> to vector<16xi32>
    %swap3A_256 = vector.shape_cast %add3A_252 : vector<16xi32> to vector<16xi32>
    tpu.vector_store %arg4[%swap3A_253], %swap3A_256 {strides = array<i32>} : memref<768xi32, #tpu.memory_space<vmem>>, vector<16xi32>,
    %add3A_257 = arith.constant 4647 : i32
    %add3A_258 = vector.broadcast %add3A_257 : i32 to vector<16xi32>
    %add3A_259 = arith.addi %mul3A_7, %add3A_258 : vector<16xi32>
    %swap3A_260 = arith.constant 448 : index
    %swap3A_261 = tpu.vector_load %arg4[%swap3A_260] {strides = array<i32>} : memref<768xi32, #tpu.memory_space<vmem>>, vector<16xi32>,
    %swap3A_262 = vector.shape_cast %swap3A_261 : vector<16xi32> to vector<16xi32>
    %swap3A_263 = vector.shape_cast %add3A_259 : vector<16xi32> to vector<16xi32>
    tpu.vector_store %arg4[%swap3A_260], %swap3A_263 {strides = array<i32>} : memref<768xi32, #tpu.memory_space<vmem>>, vector<16xi32>,
    %add3A_264 = arith.constant 5799 : i32
    %add3A_265 = vector.broadcast %add3A_264 : i32 to vector<16xi32>
    %add3A_266 = arith.addi %mul3A_7, %add3A_265 : vector<16xi32>
    %swap3A_267 = arith.constant 464 : index
    %swap3A_268 = tpu.vector_load %arg4[%swap3A_267] {strides = array<i32>} : memref<768xi32, #tpu.memory_space<vmem>>, vector<16xi32>,
    %swap3A_269 = vector.shape_cast %swap3A_268 : vector<16xi32> to vector<16xi32>
    %swap3A_270 = vector.shape_cast %add3A_266 : vector<16xi32> to vector<16xi32>
    tpu.vector_store %arg4[%swap3A_267], %swap3A_270 {strides = array<i32>} : memref<768xi32, #tpu.memory_space<vmem>>, vector<16xi32>,
    %add3A_271 = arith.constant 6951 : i32
    %add3A_272 = vector.broadcast %add3A_271 : i32 to vector<16xi32>
    %add3A_273 = arith.addi %mul3A_7, %add3A_272 : vector<16xi32>
    %swap3A_274 = arith.constant 480 : index
    %swap3A_275 = tpu.vector_load %arg4[%swap3A_274] {strides = array<i32>} : memref<768xi32, #tpu.memory_space<vmem>>, vector<16xi32>,
    %swap3A_276 = vector.shape_cast %swap3A_275 : vector<16xi32> to vector<16xi32>
    %swap3A_277 = vector.shape_cast %add3A_273 : vector<16xi32> to vector<16xi32>
    tpu.vector_store %arg4[%swap3A_274], %swap3A_277 {strides = array<i32>} : memref<768xi32, #tpu.memory_space<vmem>>, vector<16xi32>,
    %add3A_278 = arith.constant 8103 : i32
    %add3A_279 = vector.broadcast %add3A_278 : i32 to vector<16xi32>
    %add3A_280 = arith.addi %mul3A_7, %add3A_279 : vector<16xi32>
    %swap3A_281 = arith.constant 496 : index
    %swap3A_282 = tpu.vector_load %arg4[%swap3A_281] {strides = array<i32>} : memref<768xi32, #tpu.memory_space<vmem>>, vector<16xi32>,
    %swap3A_283 = vector.shape_cast %swap3A_282 : vector<16xi32> to vector<16xi32>
    %swap3A_284 = vector.shape_cast %add3A_280 : vector<16xi32> to vector<16xi32>
    tpu.vector_store %arg4[%swap3A_281], %swap3A_284 {strides = array<i32>} : memref<768xi32, #tpu.memory_space<vmem>>, vector<16xi32>,
    %dma_wait3A_285 = arith.constant 0 : i32
    %dma_wait3A_286 = arith.constant 0 : i32
    %dma_wait3A_287 = arith.constant 0 : i32
    %dma_wait3A_288 = arith.constant 0 : i32
    %dma_wait3A_289 = tpu.memref_slice %arg5[%dma_wait3A_285, %dma_wait3A_287, %dma_wait3A_288] : memref<3x128x256xf32, #tpu.memory_space<vmem>> -> memref<1x128x256xf32, #tpu.memory_space<vmem>>
    %dma_wait3A_290 = tpu.memref_squeeze %dma_wait3A_289 : memref<1x128x256xf32, #tpu.memory_space<vmem>> -> memref<128x256xf32, #tpu.memory_space<vmem>>
    %dma_wait3A_291 = arith.constant 0 : i32
    %dma_wait3A_292 = tpu.memref_slice %arg3[%dma_wait3A_286, %mul3A_2, %dma_wait3A_291] : memref<6x4096x256xf32, #tpu.memory_space<hbm>> -> memref<1x128x256xf32, #tpu.memory_space<hbm>>
    %dma_wait3A_293 = tpu.memref_squeeze %dma_wait3A_292 : memref<1x128x256xf32, #tpu.memory_space<hbm>> -> memref<128x256xf32, #tpu.memory_space<hbm>>
    %dma_wait3A_294 = arith.constant 0 : i32
    %dma_wait3A_295 = tpu.memref_slice %arg3[%dma_wait3A_286, %mul3A_2, %dma_wait3A_294] : memref<6x4096x256xf32, #tpu.memory_space<hbm>> -> memref<1x128x256xf32, #tpu.memory_space<hbm>>
    %dma_wait3A_296 = tpu.memref_squeeze %dma_wait3A_295 : memref<1x128x256xf32, #tpu.memory_space<hbm>> -> memref<128x256xf32, #tpu.memory_space<hbm>>
    %dma_wait3A_297 = arith.constant 0 : i32
    %dma_wait3A_298 = arith.constant 0 : i32
    %dma_wait3A_299 = tpu.memref_slice %arg5[%dma_wait3A_285, %dma_wait3A_297, %dma_wait3A_298] : memref<3x128x256xf32, #tpu.memory_space<vmem>> -> memref<1x128x256xf32, #tpu.memory_space<vmem>>
    %dma_wait3A_300 = tpu.memref_squeeze %dma_wait3A_299 : memref<1x128x256xf32, #tpu.memory_space<vmem>> -> memref<128x256xf32, #tpu.memory_space<vmem>>
    tpu.wait_dma2 semaphore(%arg9 : memref<!tpu.dma_semaphore, #tpu.memory_space<semaphore_mem>>) src(%dma_wait3A_300 : memref<128x256xf32, #tpu.memory_space<vmem>>) dst(%dma_wait3A_296 : memref<128x256xf32, #tpu.memory_space<hbm>>)
    %dma_start3A_301 = arith.constant 0 : i32
    %dma_start3A_302 = arith.constant 0 : i32
    %dma_start3A_303 = arith.constant 0 : i32
    %dma_start3A_304 = tpu.memref_slice %arg5[%dma_start3A_301, %dma_start3A_302, %dma_start3A_303] : memref<3x128x256xf32, #tpu.memory_space<vmem>> -> memref<1x128x256xf32, #tpu.memory_space<vmem>>
    %dma_start3A_305 = tpu.memref_squeeze %dma_start3A_304 : memref<1x128x256xf32, #tpu.memory_space<vmem>> -> memref<128x256xf32, #tpu.memory_space<vmem>>
    %dma_start3A_306 = arith.constant 384 : i32
    %dma_start3A_307 = tpu.memref_slice %arg4[%dma_start3A_306] : memref<768xi32, #tpu.memory_space<vmem>> -> memref<128xi32, #tpu.memory_space<vmem>>
    %dma_start3A_308 = arith.constant 0 : i32
    %dma_start3A_309 = arith.constant 0 : i32
    %dma_start3A_310 = tpu.memref_slice %arg2[%dma_start3A_308, %dma_start3A_309] : memref<294912x256xf32, #tpu.memory_space<hbm>> -> memref<294912x256xf32, #tpu.memory_space<hbm>>
    tpu.enqueue_indirect_dma source(%dma_start3A_310 : memref<294912x256xf32, #tpu.memory_space<hbm>>) target(%dma_start3A_305 : memref<128x256xf32, #tpu.memory_space<vmem>>) offsets(%dma_start3A_307 : memref<128xi32, #tpu.memory_space<vmem>>) semaphore(%arg6 : memref<!tpu.dma_semaphore, #tpu.memory_space<semaphore_mem>>)
    %dma_wait3A_311 = arith.constant 1 : i32
    %dma_wait3A_312 = arith.constant 0 : i32
    %dma_wait3A_313 = arith.constant 0 : i32
    %dma_wait3A_314 = tpu.memref_slice %arg5[%dma_wait3A_311, %dma_wait3A_312, %dma_wait3A_313] : memref<3x128x256xf32, #tpu.memory_space<vmem>> -> memref<1x128x256xf32, #tpu.memory_space<vmem>>
    %dma_wait3A_315 = tpu.memref_squeeze %dma_wait3A_314 : memref<1x128x256xf32, #tpu.memory_space<vmem>> -> memref<128x256xf32, #tpu.memory_space<vmem>>
    %dma_wait3A_316 = arith.constant 128 : i32
    %dma_wait3A_317 = tpu.memref_slice %arg4[%dma_wait3A_316] : memref<768xi32, #tpu.memory_space<vmem>> -> memref<128xi32, #tpu.memory_space<vmem>>
    %dma_wait3A_318 = arith.constant 0 : i32
    %dma_wait3A_319 = arith.constant 0 : i32
    %dma_wait3A_320 = tpu.memref_slice %arg2[%dma_wait3A_318, %dma_wait3A_319] : memref<294912x256xf32, #tpu.memory_space<hbm>> -> memref<294912x256xf32, #tpu.memory_space<hbm>>
    tpu.wait_indirect_dma semaphore(%arg7 : memref<!tpu.dma_semaphore, #tpu.memory_space<semaphore_mem>>) src(%dma_wait3A_320 : memref<294912x256xf32, #tpu.memory_space<hbm>>) dst(%dma_wait3A_315 : memref<128x256xf32, #tpu.memory_space<vmem>>)
    %dma_start3A_321 = arith.constant 1 : i32
    %dma_start3A_322 = arith.constant 1 : i32
    %dma_start3A_323 = arith.constant 0 : i32
    %dma_start3A_324 = arith.constant 0 : i32
    %dma_start3A_325 = tpu.memref_slice %arg5[%dma_start3A_321, %dma_start3A_323, %dma_start3A_324] : memref<3x128x256xf32, #tpu.memory_space<vmem>> -> memref<1x128x256xf32, #tpu.memory_space<vmem>>
    %dma_start3A_326 = tpu.memref_squeeze %dma_start3A_325 : memref<1x128x256xf32, #tpu.memory_space<vmem>> -> memref<128x256xf32, #tpu.memory_space<vmem>>
    %dma_start3A_327 = arith.constant 0 : i32
    %dma_start3A_328 = tpu.memref_slice %arg3[%dma_start3A_322, %mul3A_2, %dma_start3A_327] : memref<6x4096x256xf32, #tpu.memory_space<hbm>> -> memref<1x128x256xf32, #tpu.memory_space<hbm>>
    %dma_start3A_329 = tpu.memref_squeeze %dma_start3A_328 : memref<1x128x256xf32, #tpu.memory_space<hbm>> -> memref<128x256xf32, #tpu.memory_space<hbm>>
    %dma_start3A_330 = arith.constant 0 : i32
    %dma_start3A_331 = tpu.memref_slice %arg3[%dma_start3A_322, %mul3A_2, %dma_start3A_330] : memref<6x4096x256xf32, #tpu.memory_space<hbm>> -> memref<1x128x256xf32, #tpu.memory_space<hbm>>
    %dma_start3A_332 = tpu.memref_squeeze %dma_start3A_331 : memref<1x128x256xf32, #tpu.memory_space<hbm>> -> memref<128x256xf32, #tpu.memory_space<hbm>>
    %dma_start3A_333 = arith.constant 0 : i32
    %dma_start3A_334 = arith.constant 0 : i32
    %dma_start3A_335 = tpu.memref_slice %arg5[%dma_start3A_321, %dma_start3A_333, %dma_start3A_334] : memref<3x128x256xf32, #tpu.memory_space<vmem>> -> memref<1x128x256xf32, #tpu.memory_space<vmem>>
    %dma_start3A_336 = tpu.memref_squeeze %dma_start3A_335 : memref<1x128x256xf32, #tpu.memory_space<vmem>> -> memref<128x256xf32, #tpu.memory_space<vmem>>
    tpu.enqueue_dma source(%dma_start3A_336 : memref<128x256xf32, #tpu.memory_space<vmem>>) target(%dma_start3A_332 : memref<128x256xf32, #tpu.memory_space<hbm>>) target_semaphore(%arg10 : memref<!tpu.dma_semaphore, #tpu.memory_space<semaphore_mem>>)
    %add3A_337 = arith.constant 40 : i32
    %add3A_338 = vector.broadcast %add3A_337 : i32 to vector<16xi32>
    %add3A_339 = arith.addi %mul3A_7, %add3A_338 : vector<16xi32>
    %swap3A_340 = arith.constant 512 : index
    %swap3A_341 = tpu.vector_load %arg4[%swap3A_340] {strides = array<i32>} : memref<768xi32, #tpu.memory_space<vmem>>, vector<16xi32>,
    %swap3A_342 = vector.shape_cast %swap3A_341 : vector<16xi32> to vector<16xi32>
    %swap3A_343 = vector.shape_cast %add3A_339 : vector<16xi32> to vector<16xi32>
    tpu.vector_store %arg4[%swap3A_340], %swap3A_343 {strides = array<i32>} : memref<768xi32, #tpu.memory_space<vmem>>, vector<16xi32>,
    %add3A_344 = arith.constant 1192 : i32
    %add3A_345 = vector.broadcast %add3A_344 : i32 to vector<16xi32>
    %add3A_346 = arith.addi %mul3A_7, %add3A_345 : vector<16xi32>
    %swap3A_347 = arith.constant 528 : index
    %swap3A_348 = tpu.vector_load %arg4[%swap3A_347] {strides = array<i32>} : memref<768xi32, #tpu.memory_space<vmem>>, vector<16xi32>,
    %swap3A_349 = vector.shape_cast %swap3A_348 : vector<16xi32> to vector<16xi32>
    %swap3A_350 = vector.shape_cast %add3A_346 : vector<16xi32> to vector<16xi32>
    tpu.vector_store %arg4[%swap3A_347], %swap3A_350 {strides = array<i32>} : memref<768xi32, #tpu.memory_space<vmem>>, vector<16xi32>,
    %add3A_351 = arith.constant 2344 : i32
    %add3A_352 = vector.broadcast %add3A_351 : i32 to vector<16xi32>
    %add3A_353 = arith.addi %mul3A_7, %add3A_352 : vector<16xi32>
    %swap3A_354 = arith.constant 544 : index
    %swap3A_355 = tpu.vector_load %arg4[%swap3A_354] {strides = array<i32>} : memref<768xi32, #tpu.memory_space<vmem>>, vector<16xi32>,
    %swap3A_356 = vector.shape_cast %swap3A_355 : vector<16xi32> to vector<16xi32>
    %swap3A_357 = vector.shape_cast %add3A_353 : vector<16xi32> to vector<16xi32>
    tpu.vector_store %arg4[%swap3A_354], %swap3A_357 {strides = array<i32>} : memref<768xi32, #tpu.memory_space<vmem>>, vector<16xi32>,
    %add3A_358 = arith.constant 3496 : i32
    %add3A_359 = vector.broadcast %add3A_358 : i32 to vector<16xi32>
    %add3A_360 = arith.addi %mul3A_7, %add3A_359 : vector<16xi32>
    %swap3A_361 = arith.constant 560 : index
    %swap3A_362 = tpu.vector_load %arg4[%swap3A_361] {strides = array<i32>} : memref<768xi32, #tpu.memory_space<vmem>>, vector<16xi32>,
    %swap3A_363 = vector.shape_cast %swap3A_362 : vector<16xi32> to vector<16xi32>
    %swap3A_364 = vector.shape_cast %add3A_360 : vector<16xi32> to vector<16xi32>
    tpu.vector_store %arg4[%swap3A_361], %swap3A_364 {strides = array<i32>} : memref<768xi32, #tpu.memory_space<vmem>>, vector<16xi32>,
    %add3A_365 = arith.constant 4648 : i32
    %add3A_366 = vector.broadcast %add3A_365 : i32 to vector<16xi32>
    %add3A_367 = arith.addi %mul3A_7, %add3A_366 : vector<16xi32>
    %swap3A_368 = arith.constant 576 : index
    %swap3A_369 = tpu.vector_load %arg4[%swap3A_368] {strides = array<i32>} : memref<768xi32, #tpu.memory_space<vmem>>, vector<16xi32>,
    %swap3A_370 = vector.shape_cast %swap3A_369 : vector<16xi32> to vector<16xi32>
    %swap3A_371 = vector.shape_cast %add3A_367 : vector<16xi32> to vector<16xi32>
    tpu.vector_store %arg4[%swap3A_368], %swap3A_371 {strides = array<i32>} : memref<768xi32, #tpu.memory_space<vmem>>, vector<16xi32>,
    %add3A_372 = arith.constant 5800 : i32
    %add3A_373 = vector.broadcast %add3A_372 : i32 to vector<16xi32>
    %add3A_374 = arith.addi %mul3A_7, %add3A_373 : vector<16xi32>
    %swap3A_375 = arith.constant 592 : index
    %swap3A_376 = tpu.vector_load %arg4[%swap3A_375] {strides = array<i32>} : memref<768xi32, #tpu.memory_space<vmem>>, vector<16xi32>,
    %swap3A_377 = vector.shape_cast %swap3A_376 : vector<16xi32> to vector<16xi32>
    %swap3A_378 = vector.shape_cast %add3A_374 : vector<16xi32> to vector<16xi32>
    tpu.vector_store %arg4[%swap3A_375], %swap3A_378 {strides = array<i32>} : memref<768xi32, #tpu.memory_space<vmem>>, vector<16xi32>,
    %add3A_379 = arith.constant 6952 : i32
    %add3A_380 = vector.broadcast %add3A_379 : i32 to vector<16xi32>
    %add3A_381 = arith.addi %mul3A_7, %add3A_380 : vector<16xi32>
    %swap3A_382 = arith.constant 608 : index
    %swap3A_383 = tpu.vector_load %arg4[%swap3A_382] {strides = array<i32>} : memref<768xi32, #tpu.memory_space<vmem>>, vector<16xi32>,
    %swap3A_384 = vector.shape_cast %swap3A_383 : vector<16xi32> to vector<16xi32>
    %swap3A_385 = vector.shape_cast %add3A_381 : vector<16xi32> to vector<16xi32>
    tpu.vector_store %arg4[%swap3A_382], %swap3A_385 {strides = array<i32>} : memref<768xi32, #tpu.memory_space<vmem>>, vector<16xi32>,
    %add3A_386 = arith.constant 8104 : i32
    %add3A_387 = vector.broadcast %add3A_386 : i32 to vector<16xi32>
    %add3A_388 = arith.addi %mul3A_7, %add3A_387 : vector<16xi32>
    %swap3A_389 = arith.constant 624 : index
    %swap3A_390 = tpu.vector_load %arg4[%swap3A_389] {strides = array<i32>} : memref<768xi32, #tpu.memory_space<vmem>>, vector<16xi32>,
    %swap3A_391 = vector.shape_cast %swap3A_390 : vector<16xi32> to vector<16xi32>
    %swap3A_392 = vector.shape_cast %add3A_388 : vector<16xi32> to vector<16xi32>
    tpu.vector_store %arg4[%swap3A_389], %swap3A_392 {strides = array<i32>} : memref<768xi32, #tpu.memory_space<vmem>>, vector<16xi32>,
    %dma_wait3A_393 = arith.constant 1 : i32
    %dma_wait3A_394 = arith.constant 1 : i32
    %dma_wait3A_395 = arith.constant 0 : i32
    %dma_wait3A_396 = arith.constant 0 : i32
    %dma_wait3A_397 = tpu.memref_slice %arg5[%dma_wait3A_393, %dma_wait3A_395, %dma_wait3A_396] : memref<3x128x256xf32, #tpu.memory_space<vmem>> -> memref<1x128x256xf32, #tpu.memory_space<vmem>>
    %dma_wait3A_398 = tpu.memref_squeeze %dma_wait3A_397 : memref<1x128x256xf32, #tpu.memory_space<vmem>> -> memref<128x256xf32, #tpu.memory_space<vmem>>
    %dma_wait3A_399 = arith.constant 0 : i32
    %dma_wait3A_400 = tpu.memref_slice %arg3[%dma_wait3A_394, %mul3A_2, %dma_wait3A_399] : memref<6x4096x256xf32, #tpu.memory_space<hbm>> -> memref<1x128x256xf32, #tpu.memory_space<hbm>>
    %dma_wait3A_401 = tpu.memref_squeeze %dma_wait3A_400 : memref<1x128x256xf32, #tpu.memory_space<hbm>> -> memref<128x256xf32, #tpu.memory_space<hbm>>
    %dma_wait3A_402 = arith.constant 0 : i32
    %dma_wait3A_403 = tpu.memref_slice %arg3[%dma_wait3A_394, %mul3A_2, %dma_wait3A_402] : memref<6x4096x256xf32, #tpu.memory_space<hbm>> -> memref<1x128x256xf32, #tpu.memory_space<hbm>>
    %dma_wait3A_404 = tpu.memref_squeeze %dma_wait3A_403 : memref<1x128x256xf32, #tpu.memory_space<hbm>> -> memref<128x256xf32, #tpu.memory_space<hbm>>
    %dma_wait3A_405 = arith.constant 0 : i32
    %dma_wait3A_406 = arith.constant 0 : i32
    %dma_wait3A_407 = tpu.memref_slice %arg5[%dma_wait3A_393, %dma_wait3A_405, %dma_wait3A_406] : memref<3x128x256xf32, #tpu.memory_space<vmem>> -> memref<1x128x256xf32, #tpu.memory_space<vmem>>
    %dma_wait3A_408 = tpu.memref_squeeze %dma_wait3A_407 : memref<1x128x256xf32, #tpu.memory_space<vmem>> -> memref<128x256xf32, #tpu.memory_space<vmem>>
    tpu.wait_dma2 semaphore(%arg10 : memref<!tpu.dma_semaphore, #tpu.memory_space<semaphore_mem>>) src(%dma_wait3A_408 : memref<128x256xf32, #tpu.memory_space<vmem>>) dst(%dma_wait3A_404 : memref<128x256xf32, #tpu.memory_space<hbm>>)
    %dma_start3A_409 = arith.constant 1 : i32
    %dma_start3A_410 = arith.constant 0 : i32
    %dma_start3A_411 = arith.constant 0 : i32
    %dma_start3A_412 = tpu.memref_slice %arg5[%dma_start3A_409, %dma_start3A_410, %dma_start3A_411] : memref<3x128x256xf32, #tpu.memory_space<vmem>> -> memref<1x128x256xf32, #tpu.memory_space<vmem>>
    %dma_start3A_413 = tpu.memref_squeeze %dma_start3A_412 : memref<1x128x256xf32, #tpu.memory_space<vmem>> -> memref<128x256xf32, #tpu.memory_space<vmem>>
    %dma_start3A_414 = arith.constant 512 : i32
    %dma_start3A_415 = tpu.memref_slice %arg4[%dma_start3A_414] : memref<768xi32, #tpu.memory_space<vmem>> -> memref<128xi32, #tpu.memory_space<vmem>>
    %dma_start3A_416 = arith.constant 0 : i32
    %dma_start3A_417 = arith.constant 0 : i32
    %dma_start3A_418 = tpu.memref_slice %arg2[%dma_start3A_416, %dma_start3A_417] : memref<294912x256xf32, #tpu.memory_space<hbm>> -> memref<294912x256xf32, #tpu.memory_space<hbm>>
    tpu.enqueue_indirect_dma source(%dma_start3A_418 : memref<294912x256xf32, #tpu.memory_space<hbm>>) target(%dma_start3A_413 : memref<128x256xf32, #tpu.memory_space<vmem>>) offsets(%dma_start3A_415 : memref<128xi32, #tpu.memory_space<vmem>>) semaphore(%arg7 : memref<!tpu.dma_semaphore, #tpu.memory_space<semaphore_mem>>)
    %dma_wait3A_419 = arith.constant 2 : i32
    %dma_wait3A_420 = arith.constant 0 : i32
    %dma_wait3A_421 = arith.constant 0 : i32
    %dma_wait3A_422 = tpu.memref_slice %arg5[%dma_wait3A_419, %dma_wait3A_420, %dma_wait3A_421] : memref<3x128x256xf32, #tpu.memory_space<vmem>> -> memref<1x128x256xf32, #tpu.memory_space<vmem>>
    %dma_wait3A_423 = tpu.memref_squeeze %dma_wait3A_422 : memref<1x128x256xf32, #tpu.memory_space<vmem>> -> memref<128x256xf32, #tpu.memory_space<vmem>>
    %dma_wait3A_424 = arith.constant 256 : i32
    %dma_wait3A_425 = tpu.memref_slice %arg4[%dma_wait3A_424] : memref<768xi32, #tpu.memory_space<vmem>> -> memref<128xi32, #tpu.memory_space<vmem>>
    %dma_wait3A_426 = arith.constant 0 : i32
    %dma_wait3A_427 = arith.constant 0 : i32
    %dma_wait3A_428 = tpu.memref_slice %arg2[%dma_wait3A_426, %dma_wait3A_427] : memref<294912x256xf32, #tpu.memory_space<hbm>> -> memref<294912x256xf32, #tpu.memory_space<hbm>>
    tpu.wait_indirect_dma semaphore(%arg8 : memref<!tpu.dma_semaphore, #tpu.memory_space<semaphore_mem>>) src(%dma_wait3A_428 : memref<294912x256xf32, #tpu.memory_space<hbm>>) dst(%dma_wait3A_423 : memref<128x256xf32, #tpu.memory_space<vmem>>)
    %dma_start3A_429 = arith.constant 2 : i32
    %dma_start3A_430 = arith.constant 2 : i32
    %dma_start3A_431 = arith.constant 0 : i32
    %dma_start3A_432 = arith.constant 0 : i32
    %dma_start3A_433 = tpu.memref_slice %arg5[%dma_start3A_429, %dma_start3A_431, %dma_start3A_432] : memref<3x128x256xf32, #tpu.memory_space<vmem>> -> memref<1x128x256xf32, #tpu.memory_space<vmem>>
    %dma_start3A_434 = tpu.memref_squeeze %dma_start3A_433 : memref<1x128x256xf32, #tpu.memory_space<vmem>> -> memref<128x256xf32, #tpu.memory_space<vmem>>
    %dma_start3A_435 = arith.constant 0 : i32
    %dma_start3A_436 = tpu.memref_slice %arg3[%dma_start3A_430, %mul3A_2, %dma_start3A_435] : memref<6x4096x256xf32, #tpu.memory_space<hbm>> -> memref<1x128x256xf32, #tpu.memory_space<hbm>>
    %dma_start3A_437 = tpu.memref_squeeze %dma_start3A_436 : memref<1x128x256xf32, #tpu.memory_space<hbm>> -> memref<128x256xf32, #tpu.memory_space<hbm>>
    %dma_start3A_438 = arith.constant 0 : i32
    %dma_start3A_439 = tpu.memref_slice %arg3[%dma_start3A_430, %mul3A_2, %dma_start3A_438] : memref<6x4096x256xf32, #tpu.memory_space<hbm>> -> memref<1x128x256xf32, #tpu.memory_space<hbm>>
    %dma_start3A_440 = tpu.memref_squeeze %dma_start3A_439 : memref<1x128x256xf32, #tpu.memory_space<hbm>> -> memref<128x256xf32, #tpu.memory_space<hbm>>
    %dma_start3A_441 = arith.constant 0 : i32
    %dma_start3A_442 = arith.constant 0 : i32
    %dma_start3A_443 = tpu.memref_slice %arg5[%dma_start3A_429, %dma_start3A_441, %dma_start3A_442] : memref<3x128x256xf32, #tpu.memory_space<vmem>> -> memref<1x128x256xf32, #tpu.memory_space<vmem>>
    %dma_start3A_444 = tpu.memref_squeeze %dma_start3A_443 : memref<1x128x256xf32, #tpu.memory_space<vmem>> -> memref<128x256xf32, #tpu.memory_space<vmem>>
    tpu.enqueue_dma source(%dma_start3A_444 : memref<128x256xf32, #tpu.memory_space<vmem>>) target(%dma_start3A_440 : memref<128x256xf32, #tpu.memory_space<hbm>>) target_semaphore(%arg11 : memref<!tpu.dma_semaphore, #tpu.memory_space<semaphore_mem>>)
    %add3A_445 = arith.constant 41 : i32
    %add3A_446 = vector.broadcast %add3A_445 : i32 to vector<16xi32>
    %add3A_447 = arith.addi %mul3A_7, %add3A_446 : vector<16xi32>
    %swap3A_448 = arith.constant 640 : index
    %swap3A_449 = tpu.vector_load %arg4[%swap3A_448] {strides = array<i32>} : memref<768xi32, #tpu.memory_space<vmem>>, vector<16xi32>,
    %swap3A_450 = vector.shape_cast %swap3A_449 : vector<16xi32> to vector<16xi32>
    %swap3A_451 = vector.shape_cast %add3A_447 : vector<16xi32> to vector<16xi32>
    tpu.vector_store %arg4[%swap3A_448], %swap3A_451 {strides = array<i32>} : memref<768xi32, #tpu.memory_space<vmem>>, vector<16xi32>,
    %add3A_452 = arith.constant 1193 : i32
    %add3A_453 = vector.broadcast %add3A_452 : i32 to vector<16xi32>
    %add3A_454 = arith.addi %mul3A_7, %add3A_453 : vector<16xi32>
    %swap3A_455 = arith.constant 656 : index
    %swap3A_456 = tpu.vector_load %arg4[%swap3A_455] {strides = array<i32>} : memref<768xi32, #tpu.memory_space<vmem>>, vector<16xi32>,
    %swap3A_457 = vector.shape_cast %swap3A_456 : vector<16xi32> to vector<16xi32>
    %swap3A_458 = vector.shape_cast %add3A_454 : vector<16xi32> to vector<16xi32>
    tpu.vector_store %arg4[%swap3A_455], %swap3A_458 {strides = array<i32>} : memref<768xi32, #tpu.memory_space<vmem>>, vector<16xi32>,
    %add3A_459 = arith.constant 2345 : i32
    %add3A_460 = vector.broadcast %add3A_459 : i32 to vector<16xi32>
    %add3A_461 = arith.addi %mul3A_7, %add3A_460 : vector<16xi32>
    %swap3A_462 = arith.constant 672 : index
    %swap3A_463 = tpu.vector_load %arg4[%swap3A_462] {strides = array<i32>} : memref<768xi32, #tpu.memory_space<vmem>>, vector<16xi32>,
    %swap3A_464 = vector.shape_cast %swap3A_463 : vector<16xi32> to vector<16xi32>
    %swap3A_465 = vector.shape_cast %add3A_461 : vector<16xi32> to vector<16xi32>
    tpu.vector_store %arg4[%swap3A_462], %swap3A_465 {strides = array<i32>} : memref<768xi32, #tpu.memory_space<vmem>>, vector<16xi32>,
    %add3A_466 = arith.constant 3497 : i32
    %add3A_467 = vector.broadcast %add3A_466 : i32 to vector<16xi32>
    %add3A_468 = arith.addi %mul3A_7, %add3A_467 : vector<16xi32>
    %swap3A_469 = arith.constant 688 : index
    %swap3A_470 = tpu.vector_load %arg4[%swap3A_469] {strides = array<i32>} : memref<768xi32, #tpu.memory_space<vmem>>, vector<16xi32>,
    %swap3A_471 = vector.shape_cast %swap3A_470 : vector<16xi32> to vector<16xi32>
    %swap3A_472 = vector.shape_cast %add3A_468 : vector<16xi32> to vector<16xi32>
    tpu.vector_store %arg4[%swap3A_469], %swap3A_472 {strides = array<i32>} : memref<768xi32, #tpu.memory_space<vmem>>, vector<16xi32>,
    %add3A_473 = arith.constant 4649 : i32
    %add3A_474 = vector.broadcast %add3A_473 : i32 to vector<16xi32>
    %add3A_475 = arith.addi %mul3A_7, %add3A_474 : vector<16xi32>
    %swap3A_476 = arith.constant 704 : index
    %swap3A_477 = tpu.vector_load %arg4[%swap3A_476] {strides = array<i32>} : memref<768xi32, #tpu.memory_space<vmem>>, vector<16xi32>,
    %swap3A_478 = vector.shape_cast %swap3A_477 : vector<16xi32> to vector<16xi32>
    %swap3A_479 = vector.shape_cast %add3A_475 : vector<16xi32> to vector<16xi32>
    tpu.vector_store %arg4[%swap3A_476], %swap3A_479 {strides = array<i32>} : memref<768xi32, #tpu.memory_space<vmem>>, vector<16xi32>,
    %add3A_480 = arith.constant 5801 : i32
    %add3A_481 = vector.broadcast %add3A_480 : i32 to vector<16xi32>
    %add3A_482 = arith.addi %mul3A_7, %add3A_481 : vector<16xi32>
    %swap3A_483 = arith.constant 720 : index
    %swap3A_484 = tpu.vector_load %arg4[%swap3A_483] {strides = array<i32>} : memref<768xi32, #tpu.memory_space<vmem>>, vector<16xi32>,
    %swap3A_485 = vector.shape_cast %swap3A_484 : vector<16xi32> to vector<16xi32>
    %swap3A_486 = vector.shape_cast %add3A_482 : vector<16xi32> to vector<16xi32>
    tpu.vector_store %arg4[%swap3A_483], %swap3A_486 {strides = array<i32>} : memref<768xi32, #tpu.memory_space<vmem>>, vector<16xi32>,
    %add3A_487 = arith.constant 6953 : i32
    %add3A_488 = vector.broadcast %add3A_487 : i32 to vector<16xi32>
    %add3A_489 = arith.addi %mul3A_7, %add3A_488 : vector<16xi32>
    %swap3A_490 = arith.constant 736 : index
    %swap3A_491 = tpu.vector_load %arg4[%swap3A_490] {strides = array<i32>} : memref<768xi32, #tpu.memory_space<vmem>>, vector<16xi32>,
    %swap3A_492 = vector.shape_cast %swap3A_491 : vector<16xi32> to vector<16xi32>
    %swap3A_493 = vector.shape_cast %add3A_489 : vector<16xi32> to vector<16xi32>
    tpu.vector_store %arg4[%swap3A_490], %swap3A_493 {strides = array<i32>} : memref<768xi32, #tpu.memory_space<vmem>>, vector<16xi32>,
    %add3A_494 = arith.constant 8105 : i32
    %add3A_495 = vector.broadcast %add3A_494 : i32 to vector<16xi32>
    %add3A_496 = arith.addi %mul3A_7, %add3A_495 : vector<16xi32>
    %swap3A_497 = arith.constant 752 : index
    %swap3A_498 = tpu.vector_load %arg4[%swap3A_497] {strides = array<i32>} : memref<768xi32, #tpu.memory_space<vmem>>, vector<16xi32>,
    %swap3A_499 = vector.shape_cast %swap3A_498 : vector<16xi32> to vector<16xi32>
    %swap3A_500 = vector.shape_cast %add3A_496 : vector<16xi32> to vector<16xi32>
    tpu.vector_store %arg4[%swap3A_497], %swap3A_500 {strides = array<i32>} : memref<768xi32, #tpu.memory_space<vmem>>, vector<16xi32>,
    %dma_wait3A_501 = arith.constant 2 : i32
    %dma_wait3A_502 = arith.constant 2 : i32
    %dma_wait3A_503 = arith.constant 0 : i32
    %dma_wait3A_504 = arith.constant 0 : i32
    %dma_wait3A_505 = tpu.memref_slice %arg5[%dma_wait3A_501, %dma_wait3A_503, %dma_wait3A_504] : memref<3x128x256xf32, #tpu.memory_space<vmem>> -> memref<1x128x256xf32, #tpu.memory_space<vmem>>
    %dma_wait3A_506 = tpu.memref_squeeze %dma_wait3A_505 : memref<1x128x256xf32, #tpu.memory_space<vmem>> -> memref<128x256xf32, #tpu.memory_space<vmem>>
    %dma_wait3A_507 = arith.constant 0 : i32
    %dma_wait3A_508 = tpu.memref_slice %arg3[%dma_wait3A_502, %mul3A_2, %dma_wait3A_507] : memref<6x4096x256xf32, #tpu.memory_space<hbm>> -> memref<1x128x256xf32, #tpu.memory_space<hbm>>
    %dma_wait3A_509 = tpu.memref_squeeze %dma_wait3A_508 : memref<1x128x256xf32, #tpu.memory_space<hbm>> -> memref<128x256xf32, #tpu.memory_space<hbm>>
    %dma_wait3A_510 = arith.constant 0 : i32
    %dma_wait3A_511 = tpu.memref_slice %arg3[%dma_wait3A_502, %mul3A_2, %dma_wait3A_510] : memref<6x4096x256xf32, #tpu.memory_space<hbm>> -> memref<1x128x256xf32, #tpu.memory_space<hbm>>
    %dma_wait3A_512 = tpu.memref_squeeze %dma_wait3A_511 : memref<1x128x256xf32, #tpu.memory_space<hbm>> -> memref<128x256xf32, #tpu.memory_space<hbm>>
    %dma_wait3A_513 = arith.constant 0 : i32
    %dma_wait3A_514 = arith.constant 0 : i32
    %dma_wait3A_515 = tpu.memref_slice %arg5[%dma_wait3A_501, %dma_wait3A_513, %dma_wait3A_514] : memref<3x128x256xf32, #tpu.memory_space<vmem>> -> memref<1x128x256xf32, #tpu.memory_space<vmem>>
    %dma_wait3A_516 = tpu.memref_squeeze %dma_wait3A_515 : memref<1x128x256xf32, #tpu.memory_space<vmem>> -> memref<128x256xf32, #tpu.memory_space<vmem>>
    tpu.wait_dma2 semaphore(%arg11 : memref<!tpu.dma_semaphore, #tpu.memory_space<semaphore_mem>>) src(%dma_wait3A_516 : memref<128x256xf32, #tpu.memory_space<vmem>>) dst(%dma_wait3A_512 : memref<128x256xf32, #tpu.memory_space<hbm>>)
    %dma_start3A_517 = arith.constant 2 : i32
    %dma_start3A_518 = arith.constant 0 : i32
    %dma_start3A_519 = arith.constant 0 : i32
    %dma_start3A_520 = tpu.memref_slice %arg5[%dma_start3A_517, %dma_start3A_518, %dma_start3A_519] : memref<3x128x256xf32, #tpu.memory_space<vmem>> -> memref<1x128x256xf32, #tpu.memory_space<vmem>>
    %dma_start3A_521 = tpu.memref_squeeze %dma_start3A_520 : memref<1x128x256xf32, #tpu.memory_space<vmem>> -> memref<128x256xf32, #tpu.memory_space<vmem>>
    %dma_start3A_522 = arith.constant 640 : i32
    %dma_start3A_523 = tpu.memref_slice %arg4[%dma_start3A_522] : memref<768xi32, #tpu.memory_space<vmem>> -> memref<128xi32, #tpu.memory_space<vmem>>
    %dma_start3A_524 = arith.constant 0 : i32
    %dma_start3A_525 = arith.constant 0 : i32
    %dma_start3A_526 = tpu.memref_slice %arg2[%dma_start3A_524, %dma_start3A_525] : memref<294912x256xf32, #tpu.memory_space<hbm>> -> memref<294912x256xf32, #tpu.memory_space<hbm>>
    tpu.enqueue_indirect_dma source(%dma_start3A_526 : memref<294912x256xf32, #tpu.memory_space<hbm>>) target(%dma_start3A_521 : memref<128x256xf32, #tpu.memory_space<vmem>>) offsets(%dma_start3A_523 : memref<128xi32, #tpu.memory_space<vmem>>) semaphore(%arg8 : memref<!tpu.dma_semaphore, #tpu.memory_space<semaphore_mem>>)
    %dma_wait3A_527 = arith.constant 0 : i32
    %dma_wait3A_528 = arith.constant 0 : i32
    %dma_wait3A_529 = arith.constant 0 : i32
    %dma_wait3A_530 = tpu.memref_slice %arg5[%dma_wait3A_527, %dma_wait3A_528, %dma_wait3A_529] : memref<3x128x256xf32, #tpu.memory_space<vmem>> -> memref<1x128x256xf32, #tpu.memory_space<vmem>>
    %dma_wait3A_531 = tpu.memref_squeeze %dma_wait3A_530 : memref<1x128x256xf32, #tpu.memory_space<vmem>> -> memref<128x256xf32, #tpu.memory_space<vmem>>
    %dma_wait3A_532 = arith.constant 384 : i32
    %dma_wait3A_533 = tpu.memref_slice %arg4[%dma_wait3A_532] : memref<768xi32, #tpu.memory_space<vmem>> -> memref<128xi32, #tpu.memory_space<vmem>>
    %dma_wait3A_534 = arith.constant 0 : i32
    %dma_wait3A_535 = arith.constant 0 : i32
    %dma_wait3A_536 = tpu.memref_slice %arg2[%dma_wait3A_534, %dma_wait3A_535] : memref<294912x256xf32, #tpu.memory_space<hbm>> -> memref<294912x256xf32, #tpu.memory_space<hbm>>
    tpu.wait_indirect_dma semaphore(%arg6 : memref<!tpu.dma_semaphore, #tpu.memory_space<semaphore_mem>>) src(%dma_wait3A_536 : memref<294912x256xf32, #tpu.memory_space<hbm>>) dst(%dma_wait3A_531 : memref<128x256xf32, #tpu.memory_space<vmem>>)
    %dma_start3A_537 = arith.constant 0 : i32
    %dma_start3A_538 = arith.constant 3 : i32
    %dma_start3A_539 = arith.constant 0 : i32
    %dma_start3A_540 = arith.constant 0 : i32
    %dma_start3A_541 = tpu.memref_slice %arg5[%dma_start3A_537, %dma_start3A_539, %dma_start3A_540] : memref<3x128x256xf32, #tpu.memory_space<vmem>> -> memref<1x128x256xf32, #tpu.memory_space<vmem>>
    %dma_start3A_542 = tpu.memref_squeeze %dma_start3A_541 : memref<1x128x256xf32, #tpu.memory_space<vmem>> -> memref<128x256xf32, #tpu.memory_space<vmem>>
    %dma_start3A_543 = arith.constant 0 : i32
    %dma_start3A_544 = tpu.memref_slice %arg3[%dma_start3A_538, %mul3A_2, %dma_start3A_543] : memref<6x4096x256xf32, #tpu.memory_space<hbm>> -> memref<1x128x256xf32, #tpu.memory_space<hbm>>
    %dma_start3A_545 = tpu.memref_squeeze %dma_start3A_544 : memref<1x128x256xf32, #tpu.memory_space<hbm>> -> memref<128x256xf32, #tpu.memory_space<hbm>>
    %dma_start3A_546 = arith.constant 0 : i32
    %dma_start3A_547 = tpu.memref_slice %arg3[%dma_start3A_538, %mul3A_2, %dma_start3A_546] : memref<6x4096x256xf32, #tpu.memory_space<hbm>> -> memref<1x128x256xf32, #tpu.memory_space<hbm>>
    %dma_start3A_548 = tpu.memref_squeeze %dma_start3A_547 : memref<1x128x256xf32, #tpu.memory_space<hbm>> -> memref<128x256xf32, #tpu.memory_space<hbm>>
    %dma_start3A_549 = arith.constant 0 : i32
    %dma_start3A_550 = arith.constant 0 : i32
    %dma_start3A_551 = tpu.memref_slice %arg5[%dma_start3A_537, %dma_start3A_549, %dma_start3A_550] : memref<3x128x256xf32, #tpu.memory_space<vmem>> -> memref<1x128x256xf32, #tpu.memory_space<vmem>>
    %dma_start3A_552 = tpu.memref_squeeze %dma_start3A_551 : memref<1x128x256xf32, #tpu.memory_space<vmem>> -> memref<128x256xf32, #tpu.memory_space<vmem>>
    tpu.enqueue_dma source(%dma_start3A_552 : memref<128x256xf32, #tpu.memory_space<vmem>>) target(%dma_start3A_548 : memref<128x256xf32, #tpu.memory_space<hbm>>) target_semaphore(%arg9 : memref<!tpu.dma_semaphore, #tpu.memory_space<semaphore_mem>>)
    %dma_wait3A_553 = arith.constant 1 : i32
    %dma_wait3A_554 = arith.constant 0 : i32
    %dma_wait3A_555 = arith.constant 0 : i32
    %dma_wait3A_556 = tpu.memref_slice %arg5[%dma_wait3A_553, %dma_wait3A_554, %dma_wait3A_555] : memref<3x128x256xf32, #tpu.memory_space<vmem>> -> memref<1x128x256xf32, #tpu.memory_space<vmem>>
    %dma_wait3A_557 = tpu.memref_squeeze %dma_wait3A_556 : memref<1x128x256xf32, #tpu.memory_space<vmem>> -> memref<128x256xf32, #tpu.memory_space<vmem>>
    %dma_wait3A_558 = arith.constant 512 : i32
    %dma_wait3A_559 = tpu.memref_slice %arg4[%dma_wait3A_558] : memref<768xi32, #tpu.memory_space<vmem>> -> memref<128xi32, #tpu.memory_space<vmem>>
    %dma_wait3A_560 = arith.constant 0 : i32
    %dma_wait3A_561 = arith.constant 0 : i32
    %dma_wait3A_562 = tpu.memref_slice %arg2[%dma_wait3A_560, %dma_wait3A_561] : memref<294912x256xf32, #tpu.memory_space<hbm>> -> memref<294912x256xf32, #tpu.memory_space<hbm>>
    tpu.wait_indirect_dma semaphore(%arg7 : memref<!tpu.dma_semaphore, #tpu.memory_space<semaphore_mem>>) src(%dma_wait3A_562 : memref<294912x256xf32, #tpu.memory_space<hbm>>) dst(%dma_wait3A_557 : memref<128x256xf32, #tpu.memory_space<vmem>>)
    %dma_start3A_563 = arith.constant 1 : i32
    %dma_start3A_564 = arith.constant 4 : i32
    %dma_start3A_565 = arith.constant 0 : i32
    %dma_start3A_566 = arith.constant 0 : i32
    %dma_start3A_567 = tpu.memref_slice %arg5[%dma_start3A_563, %dma_start3A_565, %dma_start3A_566] : memref<3x128x256xf32, #tpu.memory_space<vmem>> -> memref<1x128x256xf32, #tpu.memory_space<vmem>>
    %dma_start3A_568 = tpu.memref_squeeze %dma_start3A_567 : memref<1x128x256xf32, #tpu.memory_space<vmem>> -> memref<128x256xf32, #tpu.memory_space<vmem>>
    %dma_start3A_569 = arith.constant 0 : i32
    %dma_start3A_570 = tpu.memref_slice %arg3[%dma_start3A_564, %mul3A_2, %dma_start3A_569] : memref<6x4096x256xf32, #tpu.memory_space<hbm>> -> memref<1x128x256xf32, #tpu.memory_space<hbm>>
    %dma_start3A_571 = tpu.memref_squeeze %dma_start3A_570 : memref<1x128x256xf32, #tpu.memory_space<hbm>> -> memref<128x256xf32, #tpu.memory_space<hbm>>
    %dma_start3A_572 = arith.constant 0 : i32
    %dma_start3A_573 = tpu.memref_slice %arg3[%dma_start3A_564, %mul3A_2, %dma_start3A_572] : memref<6x4096x256xf32, #tpu.memory_space<hbm>> -> memref<1x128x256xf32, #tpu.memory_space<hbm>>
    %dma_start3A_574 = tpu.memref_squeeze %dma_start3A_573 : memref<1x128x256xf32, #tpu.memory_space<hbm>> -> memref<128x256xf32, #tpu.memory_space<hbm>>
    %dma_start3A_575 = arith.constant 0 : i32
    %dma_start3A_576 = arith.constant 0 : i32
    %dma_start3A_577 = tpu.memref_slice %arg5[%dma_start3A_563, %dma_start3A_575, %dma_start3A_576] : memref<3x128x256xf32, #tpu.memory_space<vmem>> -> memref<1x128x256xf32, #tpu.memory_space<vmem>>
    %dma_start3A_578 = tpu.memref_squeeze %dma_start3A_577 : memref<1x128x256xf32, #tpu.memory_space<vmem>> -> memref<128x256xf32, #tpu.memory_space<vmem>>
    tpu.enqueue_dma source(%dma_start3A_578 : memref<128x256xf32, #tpu.memory_space<vmem>>) target(%dma_start3A_574 : memref<128x256xf32, #tpu.memory_space<hbm>>) target_semaphore(%arg10 : memref<!tpu.dma_semaphore, #tpu.memory_space<semaphore_mem>>)
    %dma_wait3A_579 = arith.constant 2 : i32
    %dma_wait3A_580 = arith.constant 0 : i32
    %dma_wait3A_581 = arith.constant 0 : i32
    %dma_wait3A_582 = tpu.memref_slice %arg5[%dma_wait3A_579, %dma_wait3A_580, %dma_wait3A_581] : memref<3x128x256xf32, #tpu.memory_space<vmem>> -> memref<1x128x256xf32, #tpu.memory_space<vmem>>
    %dma_wait3A_583 = tpu.memref_squeeze %dma_wait3A_582 : memref<1x128x256xf32, #tpu.memory_space<vmem>> -> memref<128x256xf32, #tpu.memory_space<vmem>>
    %dma_wait3A_584 = arith.constant 640 : i32
    %dma_wait3A_585 = tpu.memref_slice %arg4[%dma_wait3A_584] : memref<768xi32, #tpu.memory_space<vmem>> -> memref<128xi32, #tpu.memory_space<vmem>>
    %dma_wait3A_586 = arith.constant 0 : i32
    %dma_wait3A_587 = arith.constant 0 : i32
    %dma_wait3A_588 = tpu.memref_slice %arg2[%dma_wait3A_586, %dma_wait3A_587] : memref<294912x256xf32, #tpu.memory_space<hbm>> -> memref<294912x256xf32, #tpu.memory_space<hbm>>
    tpu.wait_indirect_dma semaphore(%arg8 : memref<!tpu.dma_semaphore, #tpu.memory_space<semaphore_mem>>) src(%dma_wait3A_588 : memref<294912x256xf32, #tpu.memory_space<hbm>>) dst(%dma_wait3A_583 : memref<128x256xf32, #tpu.memory_space<vmem>>)
    %dma_start3A_589 = arith.constant 2 : i32
    %dma_start3A_590 = arith.constant 5 : i32
    %dma_start3A_591 = arith.constant 0 : i32
    %dma_start3A_592 = arith.constant 0 : i32
    %dma_start3A_593 = tpu.memref_slice %arg5[%dma_start3A_589, %dma_start3A_591, %dma_start3A_592] : memref<3x128x256xf32, #tpu.memory_space<vmem>> -> memref<1x128x256xf32, #tpu.memory_space<vmem>>
    %dma_start3A_594 = tpu.memref_squeeze %dma_start3A_593 : memref<1x128x256xf32, #tpu.memory_space<vmem>> -> memref<128x256xf32, #tpu.memory_space<vmem>>
    %dma_start3A_595 = arith.constant 0 : i32
    %dma_start3A_596 = tpu.memref_slice %arg3[%dma_start3A_590, %mul3A_2, %dma_start3A_595] : memref<6x4096x256xf32, #tpu.memory_space<hbm>> -> memref<1x128x256xf32, #tpu.memory_space<hbm>>
    %dma_start3A_597 = tpu.memref_squeeze %dma_start3A_596 : memref<1x128x256xf32, #tpu.memory_space<hbm>> -> memref<128x256xf32, #tpu.memory_space<hbm>>
    %dma_start3A_598 = arith.constant 0 : i32
    %dma_start3A_599 = tpu.memref_slice %arg3[%dma_start3A_590, %mul3A_2, %dma_start3A_598] : memref<6x4096x256xf32, #tpu.memory_space<hbm>> -> memref<1x128x256xf32, #tpu.memory_space<hbm>>
    %dma_start3A_600 = tpu.memref_squeeze %dma_start3A_599 : memref<1x128x256xf32, #tpu.memory_space<hbm>> -> memref<128x256xf32, #tpu.memory_space<hbm>>
    %dma_start3A_601 = arith.constant 0 : i32
    %dma_start3A_602 = arith.constant 0 : i32
    %dma_start3A_603 = tpu.memref_slice %arg5[%dma_start3A_589, %dma_start3A_601, %dma_start3A_602] : memref<3x128x256xf32, #tpu.memory_space<vmem>> -> memref<1x128x256xf32, #tpu.memory_space<vmem>>
    %dma_start3A_604 = tpu.memref_squeeze %dma_start3A_603 : memref<1x128x256xf32, #tpu.memory_space<vmem>> -> memref<128x256xf32, #tpu.memory_space<vmem>>
    tpu.enqueue_dma source(%dma_start3A_604 : memref<128x256xf32, #tpu.memory_space<vmem>>) target(%dma_start3A_600 : memref<128x256xf32, #tpu.memory_space<hbm>>) target_semaphore(%arg11 : memref<!tpu.dma_semaphore, #tpu.memory_space<semaphore_mem>>)
    %dma_wait3A_605 = arith.constant 0 : i32
    %dma_wait3A_606 = arith.constant 3 : i32
    %dma_wait3A_607 = arith.constant 0 : i32
    %dma_wait3A_608 = arith.constant 0 : i32
    %dma_wait3A_609 = tpu.memref_slice %arg5[%dma_wait3A_605, %dma_wait3A_607, %dma_wait3A_608] : memref<3x128x256xf32, #tpu.memory_space<vmem>> -> memref<1x128x256xf32, #tpu.memory_space<vmem>>
    %dma_wait3A_610 = tpu.memref_squeeze %dma_wait3A_609 : memref<1x128x256xf32, #tpu.memory_space<vmem>> -> memref<128x256xf32, #tpu.memory_space<vmem>>
    %dma_wait3A_611 = arith.constant 0 : i32
    %dma_wait3A_612 = tpu.memref_slice %arg3[%dma_wait3A_606, %mul3A_2, %dma_wait3A_611] : memref<6x4096x256xf32, #tpu.memory_space<hbm>> -> memref<1x128x256xf32, #tpu.memory_space<hbm>>
    %dma_wait3A_613 = tpu.memref_squeeze %dma_wait3A_612 : memref<1x128x256xf32, #tpu.memory_space<hbm>> -> memref<128x256xf32, #tpu.memory_space<hbm>>
    %dma_wait3A_614 = arith.constant 0 : i32
    %dma_wait3A_615 = tpu.memref_slice %arg3[%dma_wait3A_606, %mul3A_2, %dma_wait3A_614] : memref<6x4096x256xf32, #tpu.memory_space<hbm>> -> memref<1x128x256xf32, #tpu.memory_space<hbm>>
    %dma_wait3A_616 = tpu.memref_squeeze %dma_wait3A_615 : memref<1x128x256xf32, #tpu.memory_space<hbm>> -> memref<128x256xf32, #tpu.memory_space<hbm>>
    %dma_wait3A_617 = arith.constant 0 : i32
    %dma_wait3A_618 = arith.constant 0 : i32
    %dma_wait3A_619 = tpu.memref_slice %arg5[%dma_wait3A_605, %dma_wait3A_617, %dma_wait3A_618] : memref<3x128x256xf32, #tpu.memory_space<vmem>> -> memref<1x128x256xf32, #tpu.memory_space<vmem>>
    %dma_wait3A_620 = tpu.memref_squeeze %dma_wait3A_619 : memref<1x128x256xf32, #tpu.memory_space<vmem>> -> memref<128x256xf32, #tpu.memory_space<vmem>>
    tpu.wait_dma2 semaphore(%arg9 : memref<!tpu.dma_semaphore, #tpu.memory_space<semaphore_mem>>) src(%dma_wait3A_620 : memref<128x256xf32, #tpu.memory_space<vmem>>) dst(%dma_wait3A_616 : memref<128x256xf32, #tpu.memory_space<hbm>>)
    %dma_wait3A_621 = arith.constant 1 : i32
    %dma_wait3A_622 = arith.constant 4 : i32
    %dma_wait3A_623 = arith.constant 0 : i32
    %dma_wait3A_624 = arith.constant 0 : i32
    %dma_wait3A_625 = tpu.memref_slice %arg5[%dma_wait3A_621, %dma_wait3A_623, %dma_wait3A_624] : memref<3x128x256xf32, #tpu.memory_space<vmem>> -> memref<1x128x256xf32, #tpu.memory_space<vmem>>
    %dma_wait3A_626 = tpu.memref_squeeze %dma_wait3A_625 : memref<1x128x256xf32, #tpu.memory_space<vmem>> -> memref<128x256xf32, #tpu.memory_space<vmem>>
    %dma_wait3A_627 = arith.constant 0 : i32
    %dma_wait3A_628 = tpu.memref_slice %arg3[%dma_wait3A_622, %mul3A_2, %dma_wait3A_627] : memref<6x4096x256xf32, #tpu.memory_space<hbm>> -> memref<1x128x256xf32, #tpu.memory_space<hbm>>
    %dma_wait3A_629 = tpu.memref_squeeze %dma_wait3A_628 : memref<1x128x256xf32, #tpu.memory_space<hbm>> -> memref<128x256xf32, #tpu.memory_space<hbm>>
    %dma_wait3A_630 = arith.constant 0 : i32
    %dma_wait3A_631 = tpu.memref_slice %arg3[%dma_wait3A_622, %mul3A_2, %dma_wait3A_630] : memref<6x4096x256xf32, #tpu.memory_space<hbm>> -> memref<1x128x256xf32, #tpu.memory_space<hbm>>
    %dma_wait3A_632 = tpu.memref_squeeze %dma_wait3A_631 : memref<1x128x256xf32, #tpu.memory_space<hbm>> -> memref<128x256xf32, #tpu.memory_space<hbm>>
    %dma_wait3A_633 = arith.constant 0 : i32
    %dma_wait3A_634 = arith.constant 0 : i32
    %dma_wait3A_635 = tpu.memref_slice %arg5[%dma_wait3A_621, %dma_wait3A_633, %dma_wait3A_634] : memref<3x128x256xf32, #tpu.memory_space<vmem>> -> memref<1x128x256xf32, #tpu.memory_space<vmem>>
    %dma_wait3A_636 = tpu.memref_squeeze %dma_wait3A_635 : memref<1x128x256xf32, #tpu.memory_space<vmem>> -> memref<128x256xf32, #tpu.memory_space<vmem>>
    tpu.wait_dma2 semaphore(%arg10 : memref<!tpu.dma_semaphore, #tpu.memory_space<semaphore_mem>>) src(%dma_wait3A_636 : memref<128x256xf32, #tpu.memory_space<vmem>>) dst(%dma_wait3A_632 : memref<128x256xf32, #tpu.memory_space<hbm>>)
    %dma_wait3A_637 = arith.constant 2 : i32
    %dma_wait3A_638 = arith.constant 5 : i32
    %dma_wait3A_639 = arith.constant 0 : i32
    %dma_wait3A_640 = arith.constant 0 : i32
    %dma_wait3A_641 = tpu.memref_slice %arg5[%dma_wait3A_637, %dma_wait3A_639, %dma_wait3A_640] : memref<3x128x256xf32, #tpu.memory_space<vmem>> -> memref<1x128x256xf32, #tpu.memory_space<vmem>>
    %dma_wait3A_642 = tpu.memref_squeeze %dma_wait3A_641 : memref<1x128x256xf32, #tpu.memory_space<vmem>> -> memref<128x256xf32, #tpu.memory_space<vmem>>
    %dma_wait3A_643 = arith.constant 0 : i32
    %dma_wait3A_644 = tpu.memref_slice %arg3[%dma_wait3A_638, %mul3A_2, %dma_wait3A_643] : memref<6x4096x256xf32, #tpu.memory_space<hbm>> -> memref<1x128x256xf32, #tpu.memory_space<hbm>>
    %dma_wait3A_645 = tpu.memref_squeeze %dma_wait3A_644 : memref<1x128x256xf32, #tpu.memory_space<hbm>> -> memref<128x256xf32, #tpu.memory_space<hbm>>
    %dma_wait3A_646 = arith.constant 0 : i32
    %dma_wait3A_647 = tpu.memref_slice %arg3[%dma_wait3A_638, %mul3A_2, %dma_wait3A_646] : memref<6x4096x256xf32, #tpu.memory_space<hbm>> -> memref<1x128x256xf32, #tpu.memory_space<hbm>>
    %dma_wait3A_648 = tpu.memref_squeeze %dma_wait3A_647 : memref<1x128x256xf32, #tpu.memory_space<hbm>> -> memref<128x256xf32, #tpu.memory_space<hbm>>
    %dma_wait3A_649 = arith.constant 0 : i32
    %dma_wait3A_650 = arith.constant 0 : i32
    %dma_wait3A_651 = tpu.memref_slice %arg5[%dma_wait3A_637, %dma_wait3A_649, %dma_wait3A_650] : memref<3x128x256xf32, #tpu.memory_space<vmem>> -> memref<1x128x256xf32, #tpu.memory_space<vmem>>
    %dma_wait3A_652 = tpu.memref_squeeze %dma_wait3A_651 : memref<1x128x256xf32, #tpu.memory_space<vmem>> -> memref<128x256xf32, #tpu.memory_space<vmem>>
    tpu.wait_dma2 semaphore(%arg11 : memref<!tpu.dma_semaphore, #tpu.memory_space<semaphore_mem>>) src(%dma_wait3A_652 : memref<128x256xf32, #tpu.memory_space<vmem>>) dst(%dma_wait3A_648 : memref<128x256xf32, #tpu.memory_space<hbm>>)
    return
  }
}

</mosaic_0001>

<sc_bundles>
// kernel: kernel.3.cloned.1.call-start
scs
__scs_entry_jumppad:
0x0: {  	(pc) =	sbr.rel $0x88, $3  }
0x1: {  	(tag) =	ssettag $0x0;
	lr =	simm.s32 $0x1  }
0x2: {  	[smem:$0x3FA0] =	sst lr;
	_ =	strace $0xD0000000  }
0x3: {  	_ = 	snop  }
0x4: {  	_ = 	snop  }
0x5: {  	_ = 	snop  }
0x6: {  	_ = 	snop  }
0x7: {  	_ = 	snop  }
__scs_overlays_trampoline_lowered:
0x8: {  	[smem:$0x3FAF] =	sst s0  }
0x9: {  	[smem:$0x3FB0] =	sst s1  }
0xa: {  	[smem:$0x3FB1] =	sst s2  }
0xb: {  	[smem:$0x3FB2] =	sst s3  }
0xc: {  	[smem:$0x3FB3] =	sst s4  }
0xd: {  	[smem:$0x3FB4] =	sst s5  }
0xe: {  	[smem:$0x3FB5] =	sst s6  }
0xf: {  	[smem:$0x3FB6] =	sst s7  }
0x10: {  	[smem:$0x3FB7] =	sst s8  }
0x11: {  	[smem:$0x3FB8] =	sst s9;
	s0 =	simm.s32 @!p0 $0x0  }
0x12: {  	s1 =	sld [smem:$0x3F9E];
	s0 =	simm.s32 @p0 $0x1  }
0x13: {  	[smem:$0x3FB9] =	sst s0;
	s0 =	simm.s32 @!p1 $0x0  }
0x14: {  	s2 =	sld [smem:$0x3F9D];
	s0 =	simm.s32 @p1 $0x1  }
0x15: {  	[smem:$0x3FBA] =	sst s0;
	s0 =	simm.s32 @!p2 $0x0  }
0x16: {  	s3 =	sld [smem:$0x3FDB];
	s0 =	simm.s32 @p2 $0x1  }
0x17: {  	s4 =	simm.s32 $0x1BF5;
	[smem:$0x3FBC] =	sst s0  }
0x18: {  	s0 =	sld [smem:$0x3F9F];
	_ =	swait.ge [sflag:s4], $0x0  }
0x19: {  	s7 =	sld [smem:$0x3FA0]  }
0x1a: {  	s8 =	sadd.s32 $0xFFFFE003, lr  }
0x1b: {  	s9 =	sadd.s32 $0xFFFFFEF7, lr;
	s5 =	simm.s32 $0xFFFFFFFF;
	p2 =	slt.u32 s8, $0xFFFFF086  }
0x1c: {  	p1 =	slt.u32 s9, $0xF7A;
	s5 =	simm.s32 @!p2 $0x0  }
0x1d: {  	s5 =	simm.s32 @p1 $0x1;
	p0 =	seq.s32 s7, s2  }
0x1e: {  	s7 =	smul.u32 @!p0 $0xF7A, s2;
	p2 =	seq.s32 @!p0 s5, $0x0  }
0x1f: {  	s9 =	smul.u32 $0xF7A, s1;
	s8 =	simm.s32 @!p0 $0x1BF5;
	p2 =	por !p2, p0  }
0x20: {  	[sflag:s8] =	ssyncset.s32 @!p0 $0xFFFFF086;
	s6 =	sadd.s32 @!p0 s3, s7;
	s7 =	simm.s32 @!p0 $0x108  }
0x21: {  	s3 =	sadd.s32 s3, s9;
	s6 =	sadd.s32 @!p0 $0x88, s6;
	s7 =	simm.s32 @p2 $0x1082  }
0x22: {  	[simem:s7], [sflag:s8] =	dma.local @!p0 [hbm:s6], $0xF7A  }
0x23: {  	s9 =	sor.u32 $0xD0000000, s2;
	s6 =	simm.s32 $0x108;
	_ =	swait.ge @!p0 [sflag:s8], $0x0  }
0x24: {  	s3 =	sadd.s32 $0x88, s3;
	s6 =	simm.s32 @!p1 $0x1082;
	[sflag:s4] =	ssyncset.s32 $0xFFFFF086  }
0x25: {  	[simem:s6], [sflag:s4] =	dma.local [hbm:s3], $0xF7A  }
0x26: {  	[smem:$0x3FA0] =	sst s1;
	(tag) =	ssettag s2;
	_ =	strace s9  }
0x27: {  	s1 =	sld [smem:$0x3FB0]  }
0x28: {  	s2 =	sld [smem:$0x3FB1]  }
0x29: {  	s4 =	sld [smem:$0x3FB3]  }
0x2a: {  	p0 =	seq.s32 s5, $0x0;
	s5 =	sld [smem:$0x3FB4]  }
0x2b: {  	s6 =	sld [smem:$0x3FB5]  }
0x2c: {  	s7 =	sld [smem:$0x3FB6]  }
0x2d: {  	s3 =	simm.s32 $0x108;
	s8 =	sld [smem:$0x3FB7]  }
0x2e: {  	s3 =	simm.s32 @!p0 $0x1082;
	s9 =	sld [smem:$0x3FB8]  }
0x2f: {  	lr =	sadd.s32 s0, s3;
	s0 =	sld [smem:$0x3FAF]  }
0x30: {  	s3 =	sld [smem:$0x3FB2]  }
0x31: {  	[smem:$0x3FBB] =	sst s10  }
0x32: {  	s10 =	sld [smem:$0x3FB9];
	_ =	sdelay $0x3  }
0x33: {  	p0 =	seq.s32 s10, $0x1;
	s10 =	sld [smem:$0x3FBB];
	_ =	sdelay $0x3  }
0x34: {  	[smem:$0x3FBB] =	sst s10  }
0x35: {  	s10 =	sld [smem:$0x3FBA];
	_ =	sdelay $0x3  }
0x36: {  	p1 =	seq.s32 s10, $0x1;
	s10 =	sld [smem:$0x3FBB];
	_ =	sdelay $0x3  }
0x37: {  	[smem:$0x3FBB] =	sst s10  }
0x38: {  	s10 =	sld [smem:$0x3FBC]  }
0x39: {  	_ = 	snop;
	(pc) =	sbr.ind lr, $3  }
0x3a: {  	_ = 	snop  }
0x3b: {  	_ = 	snop  }
0x3c: {  	p2 =	seq.s32 s10, $0x1;
	s10 =	sld [smem:$0x3FBB]  }
0x3d: {  	_ =	shalt  }
0x3e: {  	_ =	shalt  }
0x3f: {  	_ =	shalt  }
0x40: {  	_ =	shalt  }
0x41: {  	_ =	shalt  }
0x42: {  	_ =	shalt  }
0x43: {  	_ =	shalt  }
0x44: {  	_ =	shalt  }
0x45: {  	_ =	shalt  }
0x46: {  	_ =	shalt  }
0x47: {  	_ =	shalt  }
0x48: {  	_ =	shalt  }
0x49: {  	_ =	shalt  }
0x4a: {  	_ =	shalt  }
0x4b: {  	_ =	shalt  }
0x4c: {  	_ =	shalt  }
0x4d: {  	_ =	shalt  }
0x4e: {  	_ =	shalt  }
0x4f: {  	_ =	shalt  }
0x50: {  	_ =	shalt  }
0x51: {  	_ =	shalt  }
0x52: {  	_ =	shalt  }
0x53: {  	_ =	shalt  }
0x54: {  	_ =	shalt  }
0x55: {  	_ =	shalt  }
0x56: {  	_ =	shalt  }
0x57: {  	_ =	shalt  }
0x58: {  	_ =	shalt  }
0x59: {  	_ =	shalt  }
0x5a: {  	_ =	shalt  }
0x5b: {  	_ =	shalt  }
0x5c: {  	_ =	shalt  }
0x5d: {  	_ =	shalt  }
0x5e: {  	_ =	shalt  }
0x5f: {  	_ =	shalt  }
0x60: {  	_ =	shalt  }
0x61: {  	_ =	shalt  }
0x62: {  	_ =	shalt  }
0x63: {  	_ =	shalt  }
0x64: {  	_ =	shalt  }
0x65: {  	_ =	shalt  }
0x66: {  	_ =	shalt  }
0x67: {  	_ =	shalt  }
0x68: {  	_ =	shalt  }
0x69: {  	_ =	shalt  }
0x6a: {  	_ =	shalt  }
0x6b: {  	_ =	shalt  }
0x6c: {  	_ =	shalt  }
0x6d: {  	_ =	shalt  }
0x6e: {  	_ =	shalt  }
0x6f: {  	_ =	shalt  }
0x70: {  	_ =	shalt  }
0x71: {  	_ =	shalt  }
0x72: {  	_ =	shalt  }
0x73: {  	_ =	shalt  }
0x74: {  	_ =	shalt  }
0x75: {  	_ =	shalt  }
0x76: {  	_ =	shalt  }
0x77: {  	_ =	shalt  }
0x78: {  	_ =	shalt  }
0x79: {  	_ =	shalt  }
0x7a: {  	_ =	shalt  }
0x7b: {  	_ =	shalt  }
0x7c: {  	_ =	shalt  }
0x7d: {  	_ =	shalt  }
0x7e: {  	_ =	shalt  }
0x7f: {  	_ =	shalt  }
0x80: {  	_ =	shalt  }
0x81: {  	_ =	shalt  }
0x82: {  	_ =	shalt  }
0x83: {  	_ =	shalt  }
0x84: {  	_ =	shalt  }
0x85: {  	_ =	shalt  }
0x86: {  	_ =	shalt  }
0x87: {  	_ =	shalt  }
.Lfunc_end0:
.L_simem_size_0:
called_computation_lowered:
.L_overlay_start_0:
0x88: {  	s2 =	sld [smem:$0x3FD9]  }
0x89: {  	s3 =	sld [smem:$0x3FFE];
	_ =	sdelay $0x1  }
0x8a: {  	s1 =	srdreg.scid  }
0x8b: {  	s0 =	sand.u32 $0x1, s1  }
0x8c: {  	s18 =	sshll.u32 s0, $0xA;
	s2 =	sadd.s32 s3, s2  }
0x8d: {  	s2 =	sadd.s32 s2, s18  }
0x8e: {  	[smem:$0x3FC7] =	sst s2  }
0x8f: {  	_ = 	snop  }
0x90: {  	s2 =	sld [smem:$0x3FC9]  }
0x91: {  	s19 =	sld [smem:$0x3FD0];
	(tm) =	ssettm $0x1  }
0x92: {  	s4 =	sld [smem:$0x3FFB];
	_ =	sdelay $0x3  }
0x93: {  	_ =	strace s4  }
0x94: {  	s4 =	sld [smem:$0x3FFC];
	_ =	sdelay $0x3  }
0x95: {  	_ =	strace s4  }
0x96: {  	s4 =	sld [smem:$0x3FFD];
	_ =	sdelay $0x3  }
0x97: {  	_ =	strace s4  }
0x98: {  	_ =	strace $0x8FFFFFFF  }
0x99: {  	s20 =	sld [smem:$0x3FDB];
	_ =	sdelay $0x1  }
0x9a: {  	s5 =	simm.s32 $_scs_section_size  }
0x9b: {  	s6 =	simm.s32 $_size__tile_overlayer_lowered;
	s7 =	simm.s32 $_tile_overlayer_lowered  }
0x9c: {  	s23 =	simm.s32 $0x1BFF;
	s22 =	sshll.u32 s7, $0x1;
	s4 =	sadd.s32 s5, s20  }
0x9d: {  	s8 =	simm.s32 $0x0;
	s21 =	sshll.u32 s6, $0x1;
	s6 =	sadd.s32 s22, s4  }
0x9e: {  	[timem:s8], [sflag:s23] =	dma.local [hbm:s6], s21  }
0x9f: {  	_ =	swait.ge [sflag:s23], s21  }
0xa0: {  	s5 =	ssub.s32 $0x0, s21;
	[sflag:s23] =	ssyncset.done $0x0  }
0xa1: {  	[sflag:s23] =	ssyncadd.s32 s5;
	_ =	sdelay $0x1  }
0xa2: {  	s24 =	simm.s32 $0x1B8B  }
0xa3: {  	_ =	swait.ge [sflag:s24], $0x1  }
0xa4: {  	[sflag:s24] =	ssyncset.done $0x0  }
0xa5: {  	s25 =	simm.s32 $0x1B8E;
	[sflag:s24] =	ssyncadd.s32 $0xFFFFFFFF  }
0xa6: {  	s26 =	simm.s32 $execute0_lowered;
	[smem:$0x3FD2] =	sst s25  }
0xa7: {  	s5 =	sshll.u32 s26, $0x1;
	_ =	strace $0x80000046;
	[dreg:$0x1] =	wrdreg $0xFFFFFFFF  }
0xa8: {  	s28 =	simm.s32 $_size_execute0_lowered;
	s4 =	sadd.s32 s4, s5;
	[dreg:$0x0] =	wrdreg $0x0  }
0xa9: {  	s5 =	sshll.u32 s28, $0x1;
	[dreg:$0x2] =	wrdreg s4  }
0xaa: {  	[dreg:$0x3] =	wrdreg s5  }
0xab: {  	[dreg:$0x4] =	wrdreg $0xC0  }
0xac: {  	_ =	task [dreg:s8], $0x5FFFF  }
0xad: {  	[dreg:$0x1] =	wrdreg $0xFFFFFFFF  }
0xae: {  	[dreg:$0x0] =	wrdreg $0x60  }
0xaf: {  	[dreg:$0x2] =	wrdreg s2  }
0xb0: {  	[dreg:$0x3] =	wrdreg s19  }
0xb1: {  	[dreg:$0x4] =	wrdreg $0x9  }
0xb2: {  	_ =	task.clear_ibuf [dreg:s8], $0x5FFFF;
	_ =	strace $0x90000046  }
0xb3: {  	s29 =	simm.s32 $0x9;
	_ =	strace $0x80000048  }
0xb4: {  	_ =	swait.ge [sflag:s29], $0x1  }
0xb5: {  	[sflag:s29] =	ssyncadd.s32 $0xFFFFFFFF  }
0xb6: {  	_ =	strace $0x90000048  }
0xb7: {  	_ =	sfence  }
0xb8: {  	s30 =	sld [smem:$0x0];
	_ =	sdelay $0x2  }
0xb9: {  	s31 =	sshll.u32 s1, $0xD;
	s1 =	sshrl.u32 s1, $0x2  }
0xba: {  	s3 =	sand.u32 $0x4000, s31;
	s1 =	sadd.s32 s1, s30  }
0xbb: {  	s0 =	sor.u32 s3, s0;
	s1 =	sshll.u32 s1, $0x11  }
0xbc: {  	s0 =	sor.u32 s1, s0  }
0xbd: {  	s0 =	sadd.s32 $0x8F2B, s0  }
0xbe: {  	[sflag:s0] =	ssyncadd.remote.s32 $0x1  }
0xbf: {  	_ =	sfence.sel $0xFFFF  }
0xc0: {  	[dreg:$0x0] =	wrdreg $0xFFFFFFFF;
	(pc) =	sbr.abs _section_cstart, $3  }
0xc1: {  	[dreg:$0x1] =	wrdreg $0xFFFFFFFF  }
0xc2: {  	_ =	task.clear_ibuf [dreg:s8], $0x2FFFF;
	_ =	strace $0x9FFFFFFF  }
0xc3: {  	(tm) =	ssettm $0x7FFFFFFF  }
tec
execute0_lowered:
.L_overlay_start_1:
0x0: {  	(tag) =	ssettag $0x1  }
0x1: {  	v6 =	vlaneseq.u32  }
0x2: {  	v52 =	vmul.u32 $0x48, v6;
	v7 =	vshrl.u32 v6, $0x3  }
0x3: {  	vm0 =	vmmov $0xffff;
	v7 =	vmul.u32 $0x8, v7  }
0x4: {  	v1 =	vadd.s32 $0x49B, v52;
	v2 =	vadd.s32 $0x91B, v52;
	v3 =	vadd.s32 $0xD9B, v52  }
0x5: {  	v4 =	vadd.s32 $0x121B, v52;
	v8 =	vadd.s32 $0x169B, v52;
	v9 =	vadd.s32 $0x1B1B, v52  }
0x6: {  	v13 =	vadd.s32 $0x1C, v52;
	v14 =	vadd.s32 $0x49C, v52;
	v15 =	vadd.s32 $0x91C, v52  }
0x7: {  	v16 =	vadd.s32 $0xD9C, v52;
	v17 =	vadd.s32 $0x121C, v52;
	v18 =	vadd.s32 $0x169C, v52  }
0x8: {  	v19 =	vadd.s32 $0x1B1C, v52;
	v20 =	vadd.s32 $0x1F9C, v52;
	v22 =	vadd.s32 $0x49D, v52  }
0x9: {  	v23 =	vadd.s32 $0x91D, v52;
	v24 =	vadd.s32 $0xD9D, v52;
	v25 =	vadd.s32 $0x121D, v52  }
0xa: {  	s0 =	srdreg.scid;
	v26 =	vadd.s32 $0x169D, v52;
	v27 =	vadd.s32 $0x1B1D, v52;
	v29 =	vadd.s32 $0x1F9D, v52  }
0xb: {  	s1 =	stileid.u32;
	s0 =	sand.u32 $0x1, s0;
	v31 =	vadd.s32 $0x927, v52;
	v32 =	vadd.s32 $0xDA7, v52;
	v33 =	vadd.s32 $0x1227, v52  }
0xc: {  	s1 =	sshll.u32 s1, $0x8;
	s2 =	sshll.u32 s0, $0x7;
	v34 =	vadd.s32 $0x16A7, v52;
	v35 =	vadd.s32 $0x1B27, v52;
	v36 =	vadd.s32 $0x1FA7, v52  }
0xd: {  	s2 =	sor.u32 s2, s1;
	v38 =	vadd.s32 $0x28, v52;
	v39 =	vadd.s32 $0x4A8, v52;
	v40 =	vadd.s32 $0x928, v52  }
0xe: {  	v41 =	vadd.s32 $0xDA8, v52;
	v42 =	vadd.s32 $0x1228, v52;
	v0 =	vmov s2  }
0xf: {  	v43 =	vadd.s32 $0x16A8, v52;
	v44 =	vadd.s32 $0x1B28, v52;
	v0 =	vmul.u32 $0x48, v0  }
0x10: {  	v45 =	vadd.s32 $0x1FA8, v52;
	v47 =	vadd.s32 $0x29, v52;
	v48 =	vadd.s32 $0x4A9, v52  }
0x11: {  	v49 =	vadd.s32 $0x929, v52;
	v50 =	vadd.s32 $0xDA9, v52;
	v54 =	vbroadcast v0, $0x0  }
0x12: {  	v51 =	vadd.s32 $0x1229, v52;
	v53 =	vadd.s32 $0x16A9, v52;
	v0 =	vadd.s32 $0x1B, v52  }
0x13: {  	v57 =	vadd.s32 $0x1B29, v52;
	v58 =	vadd.s32 $0x1FA9, v52;
	v0 =	vadd.s32 v0, v54  }
0x14: {  	v1 =	vadd.s32 v1, v54;
	v2 =	vadd.s32 v2, v54;
	v3 =	vadd.s32 v3, v54  }
0x15: {  	v4 =	vadd.s32 v4, v54;
	v8 =	vadd.s32 v8, v54;
	v9 =	vadd.s32 v9, v54  }
0x16: {  	v13 =	vadd.s32 v13, v54;
	v14 =	vadd.s32 v14, v54;
	v15 =	vadd.s32 v15, v54  }
0x17: {  	v16 =	vadd.s32 v16, v54;
	v17 =	vadd.s32 v17, v54;
	v18 =	vadd.s32 v18, v54  }
0x18: {  	v19 =	vadd.s32 v19, v54;
	v20 =	vadd.s32 v20, v54;
	v22 =	vadd.s32 v22, v54  }
0x19: {  	v23 =	vadd.s32 v23, v54;
	v24 =	vadd.s32 v24, v54;
	v25 =	vadd.s32 v25, v54  }
0x1a: {  	v26 =	vadd.s32 v26, v54;
	v27 =	vadd.s32 v27, v54;
	v31 =	vadd.s32 v31, v54  }
0x1b: {  	v32 =	vadd.s32 v32, v54;
	v33 =	vadd.s32 v33, v54;
	v34 =	vadd.s32 v34, v54  }
0x1c: {  	v35 =	vadd.s32 v35, v54;
	v36 =	vadd.s32 v36, v54;
	v38 =	vadd.s32 v38, v54  }
0x1d: {  	v39 =	vadd.s32 v39, v54;
	v40 =	vadd.s32 v40, v54;
	v41 =	vadd.s32 v41, v54  }
0x1e: {  	v42 =	vadd.s32 v42, v54;
	v43 =	vadd.s32 v43, v54;
	v44 =	vadd.s32 v44, v54  }
0x1f: {  	s4 =	rddreg [dreg:$0x1];
	v45 =	vadd.s32 v45, v54;
	v47 =	vadd.s32 v47, v54;
	v48 =	vadd.s32 v48, v54  }
0x20: {  	s3 =	simm.s32 $0x0;
	s22 =	simm.s32 $0x1;
	s31 =	simm.s32 $0x4;
	v49 =	vadd.s32 v49, v54;
	v50 =	vadd.s32 v50, v54;
	v51 =	vadd.s32 v51, v54  }
0x21: {  	s7 =	simm.s32 $0x3;
	s8 =	simm.s32 $0x6;
	s10 =	simm.s32 $0x1300;
	v5 =	vshll.u32 v0, $0x1;
	v21 =	vshll.u32 v13, $0x1;
	v46 =	vshll.u32 v38, $0x1  }
0x22: {  	s11 =	simm.s32 $0x1B00;
	s13 =	simm.s32 $0x2300;
	s14 =	simm.s32 $0x2B00;
	v63 =	vshll.u32 v47, $0x1;
	v5 =	vand.u32 $0xFFFFFFF0, v5;
	v21 =	vand.u32 $0xFFFFFFF0, v21  }
0x23: {  	s15 =	simm.s32 $0x3300;
	s17 =	simm.s32 $0x4300;
	s18 =	simm.s32 $0x4B00;
	v10 =	vor.u32 $0x3, v5;
	v5 =	vand.u32 $0x7, v6;
	v6 =	vor.u32 $0x8, v6  }
0x24: {  	s19 =	simm.s32 $0x5300;
	s20 =	simm.s32 $0x5B00;
	s21 =	simm.s32 $0x6300;
	v55 =	vor.u32 $0x4, v21;
	v21 =	vadd.s32 $0x1D, v52;
	v11 =	vperm.xlane v10, v5  }
0x25: {  	s12 =	simm.s32 $0x8300;
	s28 =	simm.s32 $0x9300;
	s29 =	simm.s32 $0x9B00;
	v12 =	vperm.xlane v10, v6;
	v10 =	vadd.s32 $0x1F9B, v52;
	v21 =	vadd.s32 v21, v54  }
0x26: {  	s30 =	simm.s32 $0x10300;
	[smem:$0x7FF] =	sst s3;
	s2 =	sshll.u32 s2, $0x5;
	v59 =	vperm.xlane v55, v6;
	v10 =	vadd.s32 v10, v54;
	v28 =	vshll.u32 v21, $0x1  }
0x27: {  	s0 =	ssub.s32 $0x2, s0;
	s1 =	rddreg [dreg:$0x0];
	s4 =	sadd.s32 s4, s2;
	v11 =	vadd.s32 v7, v11;
	v12 =	vadd.s32 v7, v12;
	v30 =	vand.u32 $0xFFFFFFF0, v28  }
0x28: {  	_ =	strace $0x80000047;
	s2 =	sadd.s32 $0x20000, s4;
	[dreg:$0x8] =	wrdreg s4;
	v28 =	vadd.s32 v29, v54;
	v29 =	vadd.s32 $0x27, v52;
	v56 =	vor.u32 $0x5, v30  }
0x29: {  	s5 =	sshrl.u32 s0, $0x1;
	s23 =	sadd.s32 $0x40000, s4;
	[dreg:$0x3] =	wrdreg s2;
	v29 =	vadd.s32 v29, v54;
	v30 =	vadd.s32 $0x4A7, v52;
	v52 =	vadd.s32 v53, v54  }
0x2a: {  	s0 =	ssub.s32 s0, s5;
	s24 =	sadd.s32 $0x60000, s4;
	[dreg:$0x4] =	wrdreg s23;
	v53 =	vadd.s32 v57, v54;
	v57 =	vand.u32 $0xFFFFFFF0, v63;
	v30 =	vadd.s32 v30, v54  }
0x2b: {  	s5 =	smax.u32 s0, $0x1;
	s25 =	sadd.s32 $0x80000, s4;
	[dreg:$0x5] =	wrdreg s24;
	v37 =	vshll.u32 v29, $0x1;
	v54 =	vadd.s32 v58, v54;
	v58 =	vperm.xlane v55, v5  }
0x2c: {  	s0 =	simm.s32 $0x5;
	s26 =	sadd.s32 $0xA0000, s4;
	[dreg:$0x6] =	wrdreg s25;
	v60 =	vperm.xlane v56, v5;
	v61 =	vperm.xlane v56, v6;
	v37 =	vand.u32 $0xFFFFFFF0, v37  }
0x2d: {  	[dreg:$0x7] =	wrdreg s26;
	s2 =	simm.s32 $0x2;
	s23 =	simm.s32 $0x6B00;
	v55 =	vor.u32 $0x1, v57;
	v57 =	vadd.s32 v7, v59;
	v37 =	vor.u32 $0x7, v37  }
0x2e: {  	s24 =	simm.s32 $0x7300;
	s25 =	simm.s32 $0x7B00;
	s26 =	simm.s32 $0x8B00;
	v56 =	vadd.s32 v7, v58;
	v58 =	vadd.s32 v7, v60;
	v59 =	vadd.s32 v7, v61  }
.LBB2_1:
0x2f: {  	[tilespmem:$0x0] =	vst v0  }
0x30: {  	[tilespmem:$0x10] =	vst v1  }
0x31: {  	[tilespmem:$0x20] =	vst v2  }
0x32: {  	[tilespmem:$0x30] =	vst v3  }
0x33: {  	[tilespmem:$0x40] =	vst v4  }
0x34: {  	[tilespmem:$0x50] =	vst v8  }
0x35: {  	[tilespmem:$0x60] =	vst v9  }
0x36: {  	[tilespmem:$0x70] =	vst v10;
	s4 =	simm.s32 $0x300  }
0x37: {  	[tilespmem:s4], [sflag:$0x1] =	stream.indirect_vreg.gather [hbm4b:s1+s3], $0x80, v11, vm0, $0xb8;
	[tilespmem:$0x18300] =	vst v63  }
0x38: {  	s9 =	simm.s32 $0xB00  }
0x39: {  	[tilespmem:s9], [sflag:$0x1] =	stream.indirect_vreg.gather [hbm4b:s1+s3], $0x80, v12, vm0, $0xb8;
	[tilespmem:$0x18300] =	vst v63  }
0x3a: {  	v60 =	vld [tilespmem:$0x10];
	_ =	sdelay $0x4  }
0x3b: {  	v61 =	vshll.u32 v60, $0x1  }
0x3c: {  	v60 =	vand.u32 $0x7, v60;
	v61 =	vand.u32 $0xFFFFFFF0, v61  }
0x3d: {  	v60 =	vor.u32 v60, v61  }
0x3e: {  	v61 =	vperm.xlane v60, v5;
	_ =	sdelay $0x1  }
0x3f: {  	v60 =	vperm.xlane v60, v6;
	v61 =	vadd.s32 v7, v61;
	_ =	sdelay $0x1  }
0x40: {  	v60 =	vadd.s32 v7, v60;
	_ =	sdelay $0x2  }
0x41: {  	[tilespmem:s10], [sflag:$0x1] =	stream.indirect_vreg.gather [hbm4b:s1+s3], $0x80, v61, vm0, $0xb8;
	[tilespmem:$0x18300] =	vst v63  }
0x42: {  	_ = 	snop  }
0x43: {  	[tilespmem:s11], [sflag:$0x1] =	stream.indirect_vreg.gather [hbm4b:s1+s3], $0x80, v60, vm0, $0xb8;
	[tilespmem:$0x18300] =	vst v63  }
0x44: {  	v60 =	vld [tilespmem:$0x20];
	_ =	sdelay $0x4  }
0x45: {  	v61 =	vshll.u32 v60, $0x1  }
0x46: {  	v60 =	vand.u32 $0x7, v60;
	v61 =	vand.u32 $0xFFFFFFF0, v61  }
0x47: {  	v60 =	vor.u32 v60, v61  }
0x48: {  	v61 =	vperm.xlane v60, v5;
	_ =	sdelay $0x1  }
0x49: {  	v60 =	vperm.xlane v60, v6;
	v61 =	vadd.s32 v7, v61;
	_ =	sdelay $0x1  }
0x4a: {  	v60 =	vadd.s32 v7, v60;
	_ =	sdelay $0x2  }
0x4b: {  	[tilespmem:s13], [sflag:$0x1] =	stream.indirect_vreg.gather [hbm4b:s1+s3], $0x80, v61, vm0, $0xb8;
	[tilespmem:$0x18300] =	vst v63  }
0x4c: {  	_ = 	snop  }
0x4d: {  	[tilespmem:s14], [sflag:$0x1] =	stream.indirect_vreg.gather [hbm4b:s1+s3], $0x80, v60, vm0, $0xb8;
	[tilespmem:$0x18300] =	vst v63  }
0x4e: {  	v60 =	vld [tilespmem:$0x30];
	_ =	sdelay $0x4  }
0x4f: {  	v61 =	vshll.u32 v60, $0x1  }
0x50: {  	v60 =	vand.u32 $0x7, v60;
	v61 =	vand.u32 $0xFFFFFFF0, v61  }
0x51: {  	v60 =	vor.u32 v60, v61  }
0x52: {  	v61 =	vperm.xlane v60, v5;
	_ =	sdelay $0x1  }
0x53: {  	v60 =	vperm.xlane v60, v6;
	v61 =	vadd.s32 v7, v61;
	_ =	sdelay $0x1  }
0x54: {  	v60 =	vadd.s32 v7, v60;
	_ =	sdelay $0x2  }
0x55: {  	[tilespmem:s15], [sflag:$0x1] =	stream.indirect_vreg.gather [hbm4b:s1+s3], $0x80, v61, vm0, $0xb8;
	[tilespmem:$0x18300] =	vst v63  }
0x56: {  	s4 =	simm.s32 $0x3B00  }
0x57: {  	[tilespmem:s4], [sflag:$0x1] =	stream.indirect_vreg.gather [hbm4b:s1+s3], $0x80, v60, vm0, $0xb8;
	[tilespmem:$0x18300] =	vst v63  }
0x58: {  	v60 =	vld [tilespmem:$0x40];
	_ =	sdelay $0x4  }
0x59: {  	v61 =	vshll.u32 v60, $0x1  }
0x5a: {  	v60 =	vand.u32 $0x7, v60;
	v61 =	vand.u32 $0xFFFFFFF0, v61  }
0x5b: {  	v60 =	vor.u32 v60, v61  }
0x5c: {  	v61 =	vperm.xlane v60, v5;
	_ =	sdelay $0x1  }
0x5d: {  	v60 =	vperm.xlane v60, v6;
	v61 =	vadd.s32 v7, v61;
	_ =	sdelay $0x1  }
0x5e: {  	v60 =	vadd.s32 v7, v60;
	_ =	sdelay $0x2  }
0x5f: {  	[tilespmem:s17], [sflag:$0x1] =	stream.indirect_vreg.gather [hbm4b:s1+s3], $0x80, v61, vm0, $0xb8;
	[tilespmem:$0x18300] =	vst v63  }
0x60: {  	_ = 	snop  }
0x61: {  	[tilespmem:s18], [sflag:$0x1] =	stream.indirect_vreg.gather [hbm4b:s1+s3], $0x80, v60, vm0, $0xb8;
	[tilespmem:$0x18300] =	vst v63  }
0x62: {  	v60 =	vld [tilespmem:$0x50];
	_ =	sdelay $0x4  }
0x63: {  	v61 =	vshll.u32 v60, $0x1  }
0x64: {  	v60 =	vand.u32 $0x7, v60;
	v61 =	vand.u32 $0xFFFFFFF0, v61  }
0x65: {  	v60 =	vor.u32 v60, v61  }
0x66: {  	v61 =	vperm.xlane v60, v5;
	_ =	sdelay $0x1  }
0x67: {  	v60 =	vperm.xlane v60, v6;
	v61 =	vadd.s32 v7, v61;
	_ =	sdelay $0x1  }
0x68: {  	v60 =	vadd.s32 v7, v60;
	_ =	sdelay $0x2  }
0x69: {  	[tilespmem:s19], [sflag:$0x1] =	stream.indirect_vreg.gather [hbm4b:s1+s3], $0x80, v61, vm0, $0xb8;
	[tilespmem:$0x18300] =	vst v63  }
0x6a: {  	_ = 	snop  }
0x6b: {  	[tilespmem:s20], [sflag:$0x1] =	stream.indirect_vreg.gather [hbm4b:s1+s3], $0x80, v60, vm0, $0xb8;
	[tilespmem:$0x18300] =	vst v63  }
0x6c: {  	v60 =	vld [tilespmem:$0x60];
	_ =	sdelay $0x4  }
0x6d: {  	v61 =	vshll.u32 v60, $0x1  }
0x6e: {  	v60 =	vand.u32 $0x7, v60;
	v61 =	vand.u32 $0xFFFFFFF0, v61  }
0x6f: {  	v60 =	vor.u32 v60, v61  }
0x70: {  	v61 =	vperm.xlane v60, v5;
	_ =	sdelay $0x1  }
0x71: {  	v60 =	vperm.xlane v60, v6;
	v61 =	vadd.s32 v7, v61;
	_ =	sdelay $0x1  }
0x72: {  	v60 =	vadd.s32 v7, v60;
	_ =	sdelay $0x2  }
0x73: {  	[tilespmem:s21], [sflag:$0x1] =	stream.indirect_vreg.gather [hbm4b:s1+s3], $0x80, v61, vm0, $0xb8;
	[tilespmem:$0x18300] =	vst v63  }
0x74: {  	_ = 	snop  }
0x75: {  	[tilespmem:s23], [sflag:$0x1] =	stream.indirect_vreg.gather [hbm4b:s1+s3], $0x80, v60, vm0, $0xb8;
	[tilespmem:$0x18300] =	vst v63  }
0x76: {  	v60 =	vld [tilespmem:$0x70];
	_ =	sdelay $0x4  }
0x77: {  	v61 =	vshll.u32 v60, $0x1  }
0x78: {  	v60 =	vand.u32 $0x7, v60;
	v61 =	vand.u32 $0xFFFFFFF0, v61  }
0x79: {  	v60 =	vor.u32 v60, v61  }
0x7a: {  	v61 =	vperm.xlane v60, v5;
	_ =	sdelay $0x1  }
0x7b: {  	v60 =	vperm.xlane v60, v6;
	v61 =	vadd.s32 v7, v61;
	_ =	sdelay $0x1  }
0x7c: {  	v60 =	vadd.s32 v7, v60;
	_ =	sdelay $0x2  }
0x7d: {  	[tilespmem:s24], [sflag:$0x1] =	stream.indirect_vreg.gather [hbm4b:s1+s3], $0x80, v61, vm0, $0xb8;
	[tilespmem:$0x18300] =	vst v63  }
0x7e: {  	_ = 	snop  }
0x7f: {  	[tilespmem:s25], [sflag:$0x1] =	stream.indirect_vreg.gather [hbm4b:s1+s3], $0x80, v60, vm0, $0xb8;
	[tilespmem:$0x18300] =	vst v63  }
0x80: {  	[tilespmem:$0x80] =	vst v13  }
0x81: {  	[tilespmem:$0x90] =	vst v14  }
0x82: {  	[tilespmem:$0xA0] =	vst v15  }
0x83: {  	[tilespmem:$0xB0] =	vst v16  }
0x84: {  	[tilespmem:$0xC0] =	vst v17  }
0x85: {  	[tilespmem:$0xD0] =	vst v18  }
0x86: {  	[tilespmem:$0xE0] =	vst v19  }
0x87: {  	[tilespmem:$0xF0] =	vst v20  }
0x88: {  	[tilespmem:s12], [sflag:$0x2] =	stream.indirect_vreg.gather [hbm4b:s1+s3], $0x80, v56, vm0, $0xb8;
	[tilespmem:$0x18300] =	vst v63  }
0x89: {  	_ = 	snop  }
0x8a: {  	[tilespmem:s26], [sflag:$0x2] =	stream.indirect_vreg.gather [hbm4b:s1+s3], $0x80, v57, vm0, $0xb8;
	[tilespmem:$0x18300] =	vst v63  }
0x8b: {  	v60 =	vld [tilespmem:$0x90];
	_ =	sdelay $0x4  }
0x8c: {  	v61 =	vshll.u32 v60, $0x1  }
0x8d: {  	v60 =	vand.u32 $0x7, v60;
	v61 =	vand.u32 $0xFFFFFFF0, v61  }
0x8e: {  	v60 =	vor.u32 v60, v61  }
0x8f: {  	v61 =	vperm.xlane v60, v5;
	_ =	sdelay $0x1  }
0x90: {  	v60 =	vperm.xlane v60, v6;
	v61 =	vadd.s32 v7, v61;
	_ =	sdelay $0x1  }
0x91: {  	v60 =	vadd.s32 v7, v60;
	_ =	sdelay $0x2  }
0x92: {  	[tilespmem:s28], [sflag:$0x2] =	stream.indirect_vreg.gather [hbm4b:s1+s3], $0x80, v61, vm0, $0xb8;
	[tilespmem:$0x18300] =	vst v63  }
0x93: {  	_ = 	snop  }
0x94: {  	[tilespmem:s29], [sflag:$0x2] =	stream.indirect_vreg.gather [hbm4b:s1+s3], $0x80, v60, vm0, $0xb8;
	[tilespmem:$0x18300] =	vst v63  }
0x95: {  	v60 =	vld [tilespmem:$0xA0];
	_ =	sdelay $0x4  }
0x96: {  	v61 =	vshll.u32 v60, $0x1  }
0x97: {  	v60 =	vand.u32 $0x7, v60;
	v61 =	vand.u32 $0xFFFFFFF0, v61  }
0x98: {  	v60 =	vor.u32 v60, v61  }
0x99: {  	v61 =	vperm.xlane v60, v5;
	_ =	sdelay $0x1  }
0x9a: {  	v60 =	vperm.xlane v60, v6;
	v61 =	vadd.s32 v7, v61;
	_ =	sdelay $0x1  }
0x9b: {  	v60 =	vadd.s32 v7, v60;
	_ =	sdelay $0x1  }
0x9c: {  	s6 =	simm.s32 $0xA300  }
0x9d: {  	[tilespmem:s6], [sflag:$0x2] =	stream.indirect_vreg.gather [hbm4b:s1+s3], $0x80, v61, vm0, $0xb8;
	[tilespmem:$0x18300] =	vst v63  }
0x9e: {  	s16 =	simm.s32 $0xAB00  }
0x9f: {  	[tilespmem:s16], [sflag:$0x2] =	stream.indirect_vreg.gather [hbm4b:s1+s3], $0x80, v60, vm0, $0xb8;
	[tilespmem:$0x18300] =	vst v63  }
0xa0: {  	v60 =	vld [tilespmem:$0xB0];
	_ =	sdelay $0x4  }
0xa1: {  	v61 =	vshll.u32 v60, $0x1  }
0xa2: {  	v60 =	vand.u32 $0x7, v60;
	v61 =	vand.u32 $0xFFFFFFF0, v61  }
0xa3: {  	v60 =	vor.u32 v60, v61  }
0xa4: {  	v61 =	vperm.xlane v60, v5;
	_ =	sdelay $0x1  }
0xa5: {  	v60 =	vperm.xlane v60, v6;
	v61 =	vadd.s32 v7, v61;
	_ =	sdelay $0x1  }
0xa6: {  	v60 =	vadd.s32 v7, v60;
	_ =	sdelay $0x1  }
0xa7: {  	s16 =	simm.s32 $0xB300  }
0xa8: {  	[tilespmem:s16], [sflag:$0x2] =	stream.indirect_vreg.gather [hbm4b:s1+s3], $0x80, v61, vm0, $0xb8;
	[tilespmem:$0x18300] =	vst v63  }
0xa9: {  	s16 =	simm.s32 $0xBB00  }
0xaa: {  	[tilespmem:s16], [sflag:$0x2] =	stream.indirect_vreg.gather [hbm4b:s1+s3], $0x80, v60, vm0, $0xb8;
	[tilespmem:$0x18300] =	vst v63  }
0xab: {  	v60 =	vld [tilespmem:$0xC0];
	_ =	sdelay $0x4  }
0xac: {  	v61 =	vshll.u32 v60, $0x1  }
0xad: {  	v60 =	vand.u32 $0x7, v60;
	v61 =	vand.u32 $0xFFFFFFF0, v61  }
0xae: {  	v60 =	vor.u32 v60, v61  }
0xaf: {  	v61 =	vperm.xlane v60, v5;
	_ =	sdelay $0x1  }
0xb0: {  	v60 =	vperm.xlane v60, v6;
	v61 =	vadd.s32 v7, v61;
	_ =	sdelay $0x1  }
0xb1: {  	v60 =	vadd.s32 v7, v60;
	_ =	sdelay $0x1  }
0xb2: {  	s16 =	simm.s32 $0xC300  }
0xb3: {  	[tilespmem:s16], [sflag:$0x2] =	stream.indirect_vreg.gather [hbm4b:s1+s3], $0x80, v61, vm0, $0xb8;
	[tilespmem:$0x18300] =	vst v63  }
0xb4: {  	s16 =	simm.s32 $0xCB00  }
0xb5: {  	[tilespmem:s16], [sflag:$0x2] =	stream.indirect_vreg.gather [hbm4b:s1+s3], $0x80, v60, vm0, $0xb8;
	[tilespmem:$0x18300] =	vst v63  }
0xb6: {  	v60 =	vld [tilespmem:$0xD0];
	_ =	sdelay $0x4  }
0xb7: {  	v61 =	vshll.u32 v60, $0x1  }
0xb8: {  	v60 =	vand.u32 $0x7, v60;
	v61 =	vand.u32 $0xFFFFFFF0, v61  }
0xb9: {  	v60 =	vor.u32 v60, v61  }
0xba: {  	v61 =	vperm.xlane v60, v5;
	_ =	sdelay $0x1  }
0xbb: {  	v60 =	vperm.xlane v60, v6;
	v61 =	vadd.s32 v7, v61;
	_ =	sdelay $0x1  }
0xbc: {  	v60 =	vadd.s32 v7, v60;
	_ =	sdelay $0x1  }
0xbd: {  	s16 =	simm.s32 $0xD300  }
0xbe: {  	[tilespmem:s16], [sflag:$0x2] =	stream.indirect_vreg.gather [hbm4b:s1+s3], $0x80, v61, vm0, $0xb8;
	[tilespmem:$0x18300] =	vst v63  }
0xbf: {  	s16 =	simm.s32 $0xDB00  }
0xc0: {  	[tilespmem:s16], [sflag:$0x2] =	stream.indirect_vreg.gather [hbm4b:s1+s3], $0x80, v60, vm0, $0xb8;
	[tilespmem:$0x18300] =	vst v63  }
0xc1: {  	v60 =	vld [tilespmem:$0xE0];
	_ =	sdelay $0x4  }
0xc2: {  	v61 =	vshll.u32 v60, $0x1  }
0xc3: {  	v60 =	vand.u32 $0x7, v60;
	v61 =	vand.u32 $0xFFFFFFF0, v61  }
0xc4: {  	v60 =	vor.u32 v60, v61  }
0xc5: {  	v61 =	vperm.xlane v60, v5;
	_ =	sdelay $0x1  }
0xc6: {  	v60 =	vperm.xlane v60, v6;
	v61 =	vadd.s32 v7, v61;
	_ =	sdelay $0x1  }
0xc7: {  	v60 =	vadd.s32 v7, v60;
	_ =	sdelay $0x1  }
0xc8: {  	s16 =	simm.s32 $0xE300  }
0xc9: {  	[tilespmem:s16], [sflag:$0x2] =	stream.indirect_vreg.gather [hbm4b:s1+s3], $0x80, v61, vm0, $0xb8;
	[tilespmem:$0x18300] =	vst v63  }
0xca: {  	s16 =	simm.s32 $0xEB00  }
0xcb: {  	[tilespmem:s16], [sflag:$0x2] =	stream.indirect_vreg.gather [hbm4b:s1+s3], $0x80, v60, vm0, $0xb8;
	[tilespmem:$0x18300] =	vst v63  }
0xcc: {  	v60 =	vld [tilespmem:$0xF0];
	_ =	sdelay $0x4  }
0xcd: {  	v61 =	vshll.u32 v60, $0x1  }
0xce: {  	v60 =	vand.u32 $0x7, v60;
	v61 =	vand.u32 $0xFFFFFFF0, v61  }
0xcf: {  	v60 =	vor.u32 v60, v61  }
0xd0: {  	v61 =	vperm.xlane v60, v5;
	_ =	sdelay $0x1  }
0xd1: {  	v60 =	vperm.xlane v60, v6;
	v61 =	vadd.s32 v7, v61;
	_ =	sdelay $0x1  }
0xd2: {  	v60 =	vadd.s32 v7, v60;
	_ =	sdelay $0x1  }
0xd3: {  	s16 =	simm.s32 $0xF300  }
0xd4: {  	[tilespmem:s16], [sflag:$0x2] =	stream.indirect_vreg.gather [hbm4b:s1+s3], $0x80, v61, vm0, $0xb8;
	[tilespmem:$0x18300] =	vst v63  }
0xd5: {  	s16 =	simm.s32 $0xFB00  }
0xd6: {  	[tilespmem:s16], [sflag:$0x2] =	stream.indirect_vreg.gather [hbm4b:s1+s3], $0x80, v60, vm0, $0xb8;
	[tilespmem:$0x18300] =	vst v63  }
0xd7: {  	[tilespmem:$0x100] =	vst v21  }
0xd8: {  	[tilespmem:$0x110] =	vst v22  }
0xd9: {  	[tilespmem:$0x120] =	vst v23  }
0xda: {  	[tilespmem:$0x130] =	vst v24  }
0xdb: {  	[tilespmem:$0x140] =	vst v25  }
0xdc: {  	[tilespmem:$0x150] =	vst v26  }
0xdd: {  	[tilespmem:$0x160] =	vst v27  }
0xde: {  	[tilespmem:$0x170] =	vst v28  }
0xdf: {  	[tilespmem:s30], [sflag:$0x3] =	stream.indirect_vreg.gather [hbm4b:s1+s3], $0x80, v58, vm0, $0xb8;
	[tilespmem:$0x18300] =	vst v63  }
0xe0: {  	s16 =	simm.s32 $0x10B00  }
0xe1: {  	[tilespmem:s16], [sflag:$0x3] =	stream.indirect_vreg.gather [hbm4b:s1+s3], $0x80, v59, vm0, $0xb8;
	[tilespmem:$0x18300] =	vst v63  }
0xe2: {  	v60 =	vld [tilespmem:$0x110];
	_ =	sdelay $0x4  }
0xe3: {  	v61 =	vshll.u32 v60, $0x1  }
0xe4: {  	v60 =	vand.u32 $0x7, v60;
	v61 =	vand.u32 $0xFFFFFFF0, v61  }
0xe5: {  	v60 =	vor.u32 v60, v61  }
0xe6: {  	v61 =	vperm.xlane v60, v5;
	_ =	sdelay $0x1  }
0xe7: {  	v60 =	vperm.xlane v60, v6;
	v61 =	vadd.s32 v7, v61;
	_ =	sdelay $0x1  }
0xe8: {  	v60 =	vadd.s32 v7, v60;
	_ =	sdelay $0x1  }
0xe9: {  	s16 =	simm.s32 $0x11300  }
0xea: {  	[tilespmem:s16], [sflag:$0x3] =	stream.indirect_vreg.gather [hbm4b:s1+s3], $0x80, v61, vm0, $0xb8;
	[tilespmem:$0x18300] =	vst v63  }
0xeb: {  	s16 =	simm.s32 $0x11B00  }
0xec: {  	[tilespmem:s16], [sflag:$0x3] =	stream.indirect_vreg.gather [hbm4b:s1+s3], $0x80, v60, vm0, $0xb8;
	[tilespmem:$0x18300] =	vst v63  }
0xed: {  	v60 =	vld [tilespmem:$0x120];
	_ =	sdelay $0x4  }
0xee: {  	v61 =	vshll.u32 v60, $0x1  }
0xef: {  	v60 =	vand.u32 $0x7, v60;
	v61 =	vand.u32 $0xFFFFFFF0, v61  }
0xf0: {  	v60 =	vor.u32 v60, v61  }
0xf1: {  	v61 =	vperm.xlane v60, v5;
	_ =	sdelay $0x1  }
0xf2: {  	v60 =	vperm.xlane v60, v6;
	v61 =	vadd.s32 v7, v61;
	_ =	sdelay $0x1  }
0xf3: {  	v60 =	vadd.s32 v7, v60;
	_ =	sdelay $0x1  }
0xf4: {  	s16 =	simm.s32 $0x12300  }
0xf5: {  	[tilespmem:s16], [sflag:$0x3] =	stream.indirect_vreg.gather [hbm4b:s1+s3], $0x80, v61, vm0, $0xb8;
	[tilespmem:$0x18300] =	vst v63  }
0xf6: {  	s16 =	simm.s32 $0x12B00  }
0xf7: {  	[tilespmem:s16], [sflag:$0x3] =	stream.indirect_vreg.gather [hbm4b:s1+s3], $0x80, v60, vm0, $0xb8;
	[tilespmem:$0x18300] =	vst v63  }
0xf8: {  	v60 =	vld [tilespmem:$0x130];
	_ =	sdelay $0x4  }
0xf9: {  	v61 =	vshll.u32 v60, $0x1  }
0xfa: {  	v60 =	vand.u32 $0x7, v60;
	v61 =	vand.u32 $0xFFFFFFF0, v61  }
0xfb: {  	v60 =	vor.u32 v60, v61  }
0xfc: {  	v61 =	vperm.xlane v60, v5;
	_ =	sdelay $0x1  }
0xfd: {  	v60 =	vperm.xlane v60, v6;
	v61 =	vadd.s32 v7, v61;
	_ =	sdelay $0x1  }
0xfe: {  	v60 =	vadd.s32 v7, v60;
	_ =	sdelay $0x1  }
0xff: {  	s16 =	simm.s32 $0x13300  }
0x100: {  	[tilespmem:s16], [sflag:$0x3] =	stream.indirect_vreg.gather [hbm4b:s1+s3], $0x80, v61, vm0, $0xb8;
	[tilespmem:$0x18300] =	vst v63  }
0x101: {  	s16 =	simm.s32 $0x13B00  }
0x102: {  	[tilespmem:s16], [sflag:$0x3] =	stream.indirect_vreg.gather [hbm4b:s1+s3], $0x80, v60, vm0, $0xb8;
	[tilespmem:$0x18300] =	vst v63  }
0x103: {  	v60 =	vld [tilespmem:$0x140];
	_ =	sdelay $0x4  }
0x104: {  	v61 =	vshll.u32 v60, $0x1  }
0x105: {  	v60 =	vand.u32 $0x7, v60;
	v61 =	vand.u32 $0xFFFFFFF0, v61  }
0x106: {  	v60 =	vor.u32 v60, v61  }
0x107: {  	v61 =	vperm.xlane v60, v5;
	_ =	sdelay $0x1  }
0x108: {  	v60 =	vperm.xlane v60, v6;
	v61 =	vadd.s32 v7, v61;
	_ =	sdelay $0x1  }
0x109: {  	v60 =	vadd.s32 v7, v60;
	_ =	sdelay $0x1  }
0x10a: {  	s16 =	simm.s32 $0x14300  }
0x10b: {  	[tilespmem:s16], [sflag:$0x3] =	stream.indirect_vreg.gather [hbm4b:s1+s3], $0x80, v61, vm0, $0xb8;
	[tilespmem:$0x18300] =	vst v63  }
0x10c: {  	s16 =	simm.s32 $0x14B00  }
0x10d: {  	[tilespmem:s16], [sflag:$0x3] =	stream.indirect_vreg.gather [hbm4b:s1+s3], $0x80, v60, vm0, $0xb8;
	[tilespmem:$0x18300] =	vst v63  }
0x10e: {  	v60 =	vld [tilespmem:$0x150];
	_ =	sdelay $0x4  }
0x10f: {  	v61 =	vshll.u32 v60, $0x1  }
0x110: {  	v60 =	vand.u32 $0x7, v60;
	v61 =	vand.u32 $0xFFFFFFF0, v61  }
0x111: {  	v60 =	vor.u32 v60, v61  }
0x112: {  	v61 =	vperm.xlane v60, v5;
	_ =	sdelay $0x1  }
0x113: {  	v60 =	vperm.xlane v60, v6;
	v61 =	vadd.s32 v7, v61;
	_ =	sdelay $0x1  }
0x114: {  	v60 =	vadd.s32 v7, v60;
	_ =	sdelay $0x1  }
0x115: {  	s16 =	simm.s32 $0x15300  }
0x116: {  	[tilespmem:s16], [sflag:$0x3] =	stream.indirect_vreg.gather [hbm4b:s1+s3], $0x80, v61, vm0, $0xb8;
	[tilespmem:$0x18300] =	vst v63  }
0x117: {  	s16 =	simm.s32 $0x15B00  }
0x118: {  	[tilespmem:s16], [sflag:$0x3] =	stream.indirect_vreg.gather [hbm4b:s1+s3], $0x80, v60, vm0, $0xb8;
	[tilespmem:$0x18300] =	vst v63  }
0x119: {  	v60 =	vld [tilespmem:$0x160];
	_ =	sdelay $0x4  }
0x11a: {  	v61 =	vshll.u32 v60, $0x1  }
0x11b: {  	v60 =	vand.u32 $0x7, v60;
	v61 =	vand.u32 $0xFFFFFFF0, v61  }
0x11c: {  	v60 =	vor.u32 v60, v61  }
0x11d: {  	v61 =	vperm.xlane v60, v5;
	_ =	sdelay $0x1  }
0x11e: {  	v60 =	vperm.xlane v60, v6;
	v61 =	vadd.s32 v7, v61;
	_ =	sdelay $0x1  }
0x11f: {  	v60 =	vadd.s32 v7, v60;
	_ =	sdelay $0x1  }
0x120: {  	s16 =	simm.s32 $0x16300  }
0x121: {  	[tilespmem:s16], [sflag:$0x3] =	stream.indirect_vreg.gather [hbm4b:s1+s3], $0x80, v61, vm0, $0xb8;
	[tilespmem:$0x18300] =	vst v63  }
0x122: {  	s16 =	simm.s32 $0x16B00  }
0x123: {  	[tilespmem:s16], [sflag:$0x3] =	stream.indirect_vreg.gather [hbm4b:s1+s3], $0x80, v60, vm0, $0xb8;
	[tilespmem:$0x18300] =	vst v63  }
0x124: {  	v60 =	vld [tilespmem:$0x170];
	_ =	sdelay $0x4  }
0x125: {  	v61 =	vshll.u32 v60, $0x1  }
0x126: {  	v60 =	vand.u32 $0x7, v60;
	v61 =	vand.u32 $0xFFFFFFF0, v61  }
0x127: {  	v60 =	vor.u32 v60, v61  }
0x128: {  	v61 =	vperm.xlane v60, v5;
	_ =	sdelay $0x1  }
0x129: {  	v60 =	vperm.xlane v60, v6;
	v61 =	vadd.s32 v7, v61;
	_ =	sdelay $0x1  }
0x12a: {  	v60 =	vadd.s32 v7, v60;
	_ =	sdelay $0x1  }
0x12b: {  	s16 =	simm.s32 $0x17300  }
0x12c: {  	[tilespmem:s16], [sflag:$0x3] =	stream.indirect_vreg.gather [hbm4b:s1+s3], $0x80, v61, vm0, $0xb8;
	[tilespmem:$0x18300] =	vst v63  }
0x12d: {  	s16 =	simm.s32 $0x17B00  }
0x12e: {  	[tilespmem:s16], [sflag:$0x3] =	stream.indirect_vreg.gather [hbm4b:s1+s3], $0x80, v60, vm0, $0xb8;
	[tilespmem:$0x18300] =	vst v63  }
0x12f: {  	_ =	swait.ge [sflag:s22], $0x8000  }
0x130: {  	[sflag:s22] =	ssyncset.done $0x0  }
0x131: {  	s6 =	simm.s32 $0x300;
	s16 =	rddreg [dreg:$0x8];
	[sflag:s22] =	ssyncadd.s32 $0xFFFF8000  }
0x132: {  	[hbm4b:s16+s3] =	stream.linear.scatter [tilespmem:s6], [sflag:$0x4], $0x8000, $0x38;
	[tilespmem:$0x18300] =	vst v63  }
0x133: {  	[tilespmem:$0x180] =	vst v29  }
0x134: {  	[tilespmem:$0x190] =	vst v30  }
0x135: {  	[tilespmem:$0x1A0] =	vst v31  }
0x136: {  	[tilespmem:$0x1B0] =	vst v32  }
0x137: {  	v60 =	vperm.xlane v37, v5;
	[tilespmem:$0x1C0] =	vst v33  }
0x138: {  	[tilespmem:$0x1D0] =	vst v34  }
0x139: {  	v61 =	vperm.xlane v37, v6;
	v60 =	vadd.s32 v7, v60;
	[tilespmem:$0x1E0] =	vst v35  }
0x13a: {  	[tilespmem:$0x1F0] =	vst v36  }
0x13b: {  	v61 =	vadd.s32 v7, v61;
	_ =	swait.ge [sflag:s31], $0x8000  }
0x13c: {  	[sflag:s31] =	ssyncset.done $0x0  }
0x13d: {  	[sflag:s31] =	ssyncadd.s32 $0xFFFF8000  }
0x13e: {  	[tilespmem:s6], [sflag:$0x1] =	stream.indirect_vreg.gather [hbm4b:s1+s3], $0x80, v60, vm0, $0xb8;
	[tilespmem:$0x18300] =	vst v63  }
0x13f: {  	_ = 	snop  }
0x140: {  	[tilespmem:s9], [sflag:$0x1] =	stream.indirect_vreg.gather [hbm4b:s1+s3], $0x80, v61, vm0, $0xb8;
	[tilespmem:$0x18300] =	vst v63  }
0x141: {  	v60 =	vld [tilespmem:$0x190];
	_ =	sdelay $0x4  }
0x142: {  	v61 =	vshll.u32 v60, $0x1  }
0x143: {  	v60 =	vand.u32 $0x7, v60;
	v61 =	vand.u32 $0xFFFFFFF0, v61  }
0x144: {  	v60 =	vor.u32 v60, v61  }
0x145: {  	v61 =	vperm.xlane v60, v5;
	_ =	sdelay $0x1  }
0x146: {  	v60 =	vperm.xlane v60, v6;
	v61 =	vadd.s32 v7, v61;
	_ =	sdelay $0x1  }
0x147: {  	v60 =	vadd.s32 v7, v60;
	_ =	sdelay $0x2  }
0x148: {  	[tilespmem:s10], [sflag:$0x1] =	stream.indirect_vreg.gather [hbm4b:s1+s3], $0x80, v61, vm0, $0xb8;
	[tilespmem:$0x18300] =	vst v63  }
0x149: {  	_ = 	snop  }
0x14a: {  	[tilespmem:s11], [sflag:$0x1] =	stream.indirect_vreg.gather [hbm4b:s1+s3], $0x80, v60, vm0, $0xb8;
	[tilespmem:$0x18300] =	vst v63  }
0x14b: {  	v60 =	vld [tilespmem:$0x1A0];
	_ =	sdelay $0x4  }
0x14c: {  	v61 =	vshll.u32 v60, $0x1  }
0x14d: {  	v60 =	vand.u32 $0x7, v60;
	v61 =	vand.u32 $0xFFFFFFF0, v61  }
0x14e: {  	v60 =	vor.u32 v60, v61  }
0x14f: {  	v61 =	vperm.xlane v60, v5;
	_ =	sdelay $0x1  }
0x150: {  	v60 =	vperm.xlane v60, v6;
	v61 =	vadd.s32 v7, v61;
	_ =	sdelay $0x1  }
0x151: {  	v60 =	vadd.s32 v7, v60;
	_ =	sdelay $0x2  }
0x152: {  	[tilespmem:s13], [sflag:$0x1] =	stream.indirect_vreg.gather [hbm4b:s1+s3], $0x80, v61, vm0, $0xb8;
	[tilespmem:$0x18300] =	vst v63  }
0x153: {  	_ = 	snop  }
0x154: {  	[tilespmem:s14], [sflag:$0x1] =	stream.indirect_vreg.gather [hbm4b:s1+s3], $0x80, v60, vm0, $0xb8;
	[tilespmem:$0x18300] =	vst v63  }
0x155: {  	v60 =	vld [tilespmem:$0x1B0];
	_ =	sdelay $0x4  }
0x156: {  	v61 =	vshll.u32 v60, $0x1  }
0x157: {  	v60 =	vand.u32 $0x7, v60;
	v61 =	vand.u32 $0xFFFFFFF0, v61  }
0x158: {  	v60 =	vor.u32 v60, v61  }
0x159: {  	v61 =	vperm.xlane v60, v5;
	_ =	sdelay $0x1  }
0x15a: {  	v60 =	vperm.xlane v60, v6;
	v61 =	vadd.s32 v7, v61;
	_ =	sdelay $0x1  }
0x15b: {  	v60 =	vadd.s32 v7, v60;
	_ =	sdelay $0x2  }
0x15c: {  	[tilespmem:s15], [sflag:$0x1] =	stream.indirect_vreg.gather [hbm4b:s1+s3], $0x80, v61, vm0, $0xb8;
	[tilespmem:$0x18300] =	vst v63  }
0x15d: {  	_ = 	snop  }
0x15e: {  	[tilespmem:s4], [sflag:$0x1] =	stream.indirect_vreg.gather [hbm4b:s1+s3], $0x80, v60, vm0, $0xb8;
	[tilespmem:$0x18300] =	vst v63  }
0x15f: {  	v60 =	vld [tilespmem:$0x1C0];
	_ =	sdelay $0x4  }
0x160: {  	v61 =	vshll.u32 v60, $0x1  }
0x161: {  	v60 =	vand.u32 $0x7, v60;
	v61 =	vand.u32 $0xFFFFFFF0, v61  }
0x162: {  	v60 =	vor.u32 v60, v61  }
0x163: {  	v61 =	vperm.xlane v60, v5;
	_ =	sdelay $0x1  }
0x164: {  	v60 =	vperm.xlane v60, v6;
	v61 =	vadd.s32 v7, v61;
	_ =	sdelay $0x1  }
0x165: {  	v60 =	vadd.s32 v7, v60;
	_ =	sdelay $0x2  }
0x166: {  	[tilespmem:s17], [sflag:$0x1] =	stream.indirect_vreg.gather [hbm4b:s1+s3], $0x80, v61, vm0, $0xb8;
	[tilespmem:$0x18300] =	vst v63  }
0x167: {  	_ = 	snop  }
0x168: {  	[tilespmem:s18], [sflag:$0x1] =	stream.indirect_vreg.gather [hbm4b:s1+s3], $0x80, v60, vm0, $0xb8;
	[tilespmem:$0x18300] =	vst v63  }
0x169: {  	v60 =	vld [tilespmem:$0x1D0];
	_ =	sdelay $0x4  }
0x16a: {  	v61 =	vshll.u32 v60, $0x1  }
0x16b: {  	v60 =	vand.u32 $0x7, v60;
	v61 =	vand.u32 $0xFFFFFFF0, v61  }
0x16c: {  	v60 =	vor.u32 v60, v61  }
0x16d: {  	v61 =	vperm.xlane v60, v5;
	_ =	sdelay $0x1  }
0x16e: {  	v60 =	vperm.xlane v60, v6;
	v61 =	vadd.s32 v7, v61;
	_ =	sdelay $0x1  }
0x16f: {  	v60 =	vadd.s32 v7, v60;
	_ =	sdelay $0x2  }
0x170: {  	[tilespmem:s19], [sflag:$0x1] =	stream.indirect_vreg.gather [hbm4b:s1+s3], $0x80, v61, vm0, $0xb8;
	[tilespmem:$0x18300] =	vst v63  }
0x171: {  	_ = 	snop  }
0x172: {  	[tilespmem:s20], [sflag:$0x1] =	stream.indirect_vreg.gather [hbm4b:s1+s3], $0x80, v60, vm0, $0xb8;
	[tilespmem:$0x18300] =	vst v63  }
0x173: {  	v60 =	vld [tilespmem:$0x1E0];
	_ =	sdelay $0x4  }
0x174: {  	v61 =	vshll.u32 v60, $0x1  }
0x175: {  	v60 =	vand.u32 $0x7, v60;
	v61 =	vand.u32 $0xFFFFFFF0, v61  }
0x176: {  	v60 =	vor.u32 v60, v61  }
0x177: {  	v61 =	vperm.xlane v60, v5;
	_ =	sdelay $0x1  }
0x178: {  	v60 =	vperm.xlane v60, v6;
	v61 =	vadd.s32 v7, v61;
	_ =	sdelay $0x1  }
0x179: {  	v60 =	vadd.s32 v7, v60;
	_ =	sdelay $0x2  }
0x17a: {  	[tilespmem:s21], [sflag:$0x1] =	stream.indirect_vreg.gather [hbm4b:s1+s3], $0x80, v61, vm0, $0xb8;
	[tilespmem:$0x18300] =	vst v63  }
0x17b: {  	_ = 	snop  }
0x17c: {  	[tilespmem:s23], [sflag:$0x1] =	stream.indirect_vreg.gather [hbm4b:s1+s3], $0x80, v60, vm0, $0xb8;
	[tilespmem:$0x18300] =	vst v63  }
0x17d: {  	v60 =	vld [tilespmem:$0x1F0];
	_ =	sdelay $0x4  }
0x17e: {  	v61 =	vshll.u32 v60, $0x1  }
0x17f: {  	v60 =	vand.u32 $0x7, v60;
	v61 =	vand.u32 $0xFFFFFFF0, v61  }
0x180: {  	v60 =	vor.u32 v60, v61  }
0x181: {  	v61 =	vperm.xlane v60, v5;
	_ =	sdelay $0x1  }
0x182: {  	v60 =	vperm.xlane v60, v6;
	v61 =	vadd.s32 v7, v61;
	_ =	sdelay $0x1  }
0x183: {  	v60 =	vadd.s32 v7, v60;
	_ =	sdelay $0x2  }
0x184: {  	[tilespmem:s24], [sflag:$0x1] =	stream.indirect_vreg.gather [hbm4b:s1+s3], $0x80, v61, vm0, $0xb8;
	[tilespmem:$0x18300] =	vst v63  }
0x185: {  	_ = 	snop  }
0x186: {  	[tilespmem:s25], [sflag:$0x1] =	stream.indirect_vreg.gather [hbm4b:s1+s3], $0x80, v60, vm0, $0xb8;
	[tilespmem:$0x18300] =	vst v63  }
0x187: {  	_ =	swait.ge [sflag:s2], $0x8000  }
0x188: {  	[sflag:s2] =	ssyncset.done $0x0  }
0x189: {  	s4 =	rddreg [dreg:$0x3];
	[sflag:s2] =	ssyncadd.s32 $0xFFFF8000  }
0x18a: {  	[hbm4b:s4+s3] =	stream.linear.scatter [tilespmem:s12], [sflag:$0x5], $0x8000, $0x38;
	[tilespmem:$0x18300] =	vst v63  }
0x18b: {  	[tilespmem:$0x200] =	vst v38  }
0x18c: {  	[tilespmem:$0x210] =	vst v39  }
0x18d: {  	[tilespmem:$0x220] =	vst v40  }
0x18e: {  	[tilespmem:$0x230] =	vst v41  }
0x18f: {  	v60 =	vperm.xlane v46, v5;
	[tilespmem:$0x240] =	vst v42  }
0x190: {  	[tilespmem:$0x250] =	vst v43  }
0x191: {  	v61 =	vperm.xlane v46, v6;
	v60 =	vadd.s32 v7, v60;
	[tilespmem:$0x260] =	vst v44  }
0x192: {  	[tilespmem:$0x270] =	vst v45  }
0x193: {  	v61 =	vadd.s32 v7, v61;
	_ =	swait.ge [sflag:s0], $0x8000  }
0x194: {  	[sflag:s0] =	ssyncset.done $0x0  }
0x195: {  	[sflag:s0] =	ssyncadd.s32 $0xFFFF8000  }
0x196: {  	[tilespmem:s12], [sflag:$0x2] =	stream.indirect_vreg.gather [hbm4b:s1+s3], $0x80, v60, vm0, $0xb8;
	[tilespmem:$0x18300] =	vst v63  }
0x197: {  	_ = 	snop  }
0x198: {  	[tilespmem:s26], [sflag:$0x2] =	stream.indirect_vreg.gather [hbm4b:s1+s3], $0x80, v61, vm0, $0xb8;
	[tilespmem:$0x18300] =	vst v63  }
0x199: {  	v60 =	vld [tilespmem:$0x210];
	_ =	sdelay $0x4  }
0x19a: {  	v61 =	vshll.u32 v60, $0x1  }
0x19b: {  	v60 =	vand.u32 $0x7, v60;
	v61 =	vand.u32 $0xFFFFFFF0, v61  }
0x19c: {  	v60 =	vor.u32 v60, v61  }
0x19d: {  	v61 =	vperm.xlane v60, v5;
	_ =	sdelay $0x1  }
0x19e: {  	v60 =	vperm.xlane v60, v6;
	v61 =	vadd.s32 v7, v61;
	_ =	sdelay $0x1  }
0x19f: {  	v60 =	vadd.s32 v7, v60;
	_ =	sdelay $0x2  }
0x1a0: {  	[tilespmem:s28], [sflag:$0x2] =	stream.indirect_vreg.gather [hbm4b:s1+s3], $0x80, v61, vm0, $0xb8;
	[tilespmem:$0x18300] =	vst v63  }
0x1a1: {  	_ = 	snop  }
0x1a2: {  	[tilespmem:s29], [sflag:$0x2] =	stream.indirect_vreg.gather [hbm4b:s1+s3], $0x80, v60, vm0, $0xb8;
	[tilespmem:$0x18300] =	vst v63  }
0x1a3: {  	v60 =	vld [tilespmem:$0x220];
	_ =	sdelay $0x4  }
0x1a4: {  	v61 =	vshll.u32 v60, $0x1  }
0x1a5: {  	v60 =	vand.u32 $0x7, v60;
	v61 =	vand.u32 $0xFFFFFFF0, v61  }
0x1a6: {  	v60 =	vor.u32 v60, v61  }
0x1a7: {  	v61 =	vperm.xlane v60, v5;
	_ =	sdelay $0x1  }
0x1a8: {  	v60 =	vperm.xlane v60, v6;
	v61 =	vadd.s32 v7, v61;
	_ =	sdelay $0x1  }
0x1a9: {  	v60 =	vadd.s32 v7, v60;
	_ =	sdelay $0x1  }
0x1aa: {  	s6 =	simm.s32 $0xA300  }
0x1ab: {  	[tilespmem:s6], [sflag:$0x2] =	stream.indirect_vreg.gather [hbm4b:s1+s3], $0x80, v61, vm0, $0xb8;
	[tilespmem:$0x18300] =	vst v63  }
0x1ac: {  	s9 =	simm.s32 $0xAB00  }
0x1ad: {  	[tilespmem:s9], [sflag:$0x2] =	stream.indirect_vreg.gather [hbm4b:s1+s3], $0x80, v60, vm0, $0xb8;
	[tilespmem:$0x18300] =	vst v63  }
0x1ae: {  	v60 =	vld [tilespmem:$0x230];
	_ =	sdelay $0x4  }
0x1af: {  	v61 =	vshll.u32 v60, $0x1  }
0x1b0: {  	v60 =	vand.u32 $0x7, v60;
	v61 =	vand.u32 $0xFFFFFFF0, v61  }
0x1b1: {  	v60 =	vor.u32 v60, v61  }
0x1b2: {  	v61 =	vperm.xlane v60, v5;
	_ =	sdelay $0x1  }
0x1b3: {  	v60 =	vperm.xlane v60, v6;
	v61 =	vadd.s32 v7, v61;
	_ =	sdelay $0x1  }
0x1b4: {  	v60 =	vadd.s32 v7, v60;
	_ =	sdelay $0x1  }
0x1b5: {  	s6 =	simm.s32 $0xB300  }
0x1b6: {  	[tilespmem:s6], [sflag:$0x2] =	stream.indirect_vreg.gather [hbm4b:s1+s3], $0x80, v61, vm0, $0xb8;
	[tilespmem:$0x18300] =	vst v63  }
0x1b7: {  	s9 =	simm.s32 $0xBB00  }
0x1b8: {  	[tilespmem:s9], [sflag:$0x2] =	stream.indirect_vreg.gather [hbm4b:s1+s3], $0x80, v60, vm0, $0xb8;
	[tilespmem:$0x18300] =	vst v63  }
0x1b9: {  	v60 =	vld [tilespmem:$0x240];
	_ =	sdelay $0x4  }
0x1ba: {  	v61 =	vshll.u32 v60, $0x1  }
0x1bb: {  	v60 =	vand.u32 $0x7, v60;
	v61 =	vand.u32 $0xFFFFFFF0, v61  }
0x1bc: {  	v60 =	vor.u32 v60, v61  }
0x1bd: {  	v61 =	vperm.xlane v60, v5;
	_ =	sdelay $0x1  }
0x1be: {  	v60 =	vperm.xlane v60, v6;
	v61 =	vadd.s32 v7, v61;
	_ =	sdelay $0x1  }
0x1bf: {  	v60 =	vadd.s32 v7, v60;
	_ =	sdelay $0x1  }
0x1c0: {  	s6 =	simm.s32 $0xC300  }
0x1c1: {  	[tilespmem:s6], [sflag:$0x2] =	stream.indirect_vreg.gather [hbm4b:s1+s3], $0x80, v61, vm0, $0xb8;
	[tilespmem:$0x18300] =	vst v63  }
0x1c2: {  	s9 =	simm.s32 $0xCB00  }
0x1c3: {  	[tilespmem:s9], [sflag:$0x2] =	stream.indirect_vreg.gather [hbm4b:s1+s3], $0x80, v60, vm0, $0xb8;
	[tilespmem:$0x18300] =	vst v63  }
0x1c4: {  	v60 =	vld [tilespmem:$0x250];
	_ =	sdelay $0x4  }
0x1c5: {  	v61 =	vshll.u32 v60, $0x1  }
0x1c6: {  	v60 =	vand.u32 $0x7, v60;
	v61 =	vand.u32 $0xFFFFFFF0, v61  }
0x1c7: {  	v60 =	vor.u32 v60, v61  }
0x1c8: {  	v61 =	vperm.xlane v60, v5;
	_ =	sdelay $0x1  }
0x1c9: {  	v60 =	vperm.xlane v60, v6;
	v61 =	vadd.s32 v7, v61;
	_ =	sdelay $0x1  }
0x1ca: {  	v60 =	vadd.s32 v7, v60;
	_ =	sdelay $0x1  }
0x1cb: {  	s6 =	simm.s32 $0xD300  }
0x1cc: {  	[tilespmem:s6], [sflag:$0x2] =	stream.indirect_vreg.gather [hbm4b:s1+s3], $0x80, v61, vm0, $0xb8;
	[tilespmem:$0x18300] =	vst v63  }
0x1cd: {  	s9 =	simm.s32 $0xDB00  }
0x1ce: {  	[tilespmem:s9], [sflag:$0x2] =	stream.indirect_vreg.gather [hbm4b:s1+s3], $0x80, v60, vm0, $0xb8;
	[tilespmem:$0x18300] =	vst v63  }
0x1cf: {  	v60 =	vld [tilespmem:$0x260];
	_ =	sdelay $0x4  }
0x1d0: {  	v61 =	vshll.u32 v60, $0x1  }
0x1d1: {  	v60 =	vand.u32 $0x7, v60;
	v61 =	vand.u32 $0xFFFFFFF0, v61  }
0x1d2: {  	v60 =	vor.u32 v60, v61  }
0x1d3: {  	v61 =	vperm.xlane v60, v5;
	_ =	sdelay $0x1  }
0x1d4: {  	v60 =	vperm.xlane v60, v6;
	v61 =	vadd.s32 v7, v61;
	_ =	sdelay $0x1  }
0x1d5: {  	v60 =	vadd.s32 v7, v60;
	_ =	sdelay $0x1  }
0x1d6: {  	s6 =	simm.s32 $0xE300  }
0x1d7: {  	[tilespmem:s6], [sflag:$0x2] =	stream.indirect_vreg.gather [hbm4b:s1+s3], $0x80, v61, vm0, $0xb8;
	[tilespmem:$0x18300] =	vst v63  }
0x1d8: {  	s9 =	simm.s32 $0xEB00  }
0x1d9: {  	[tilespmem:s9], [sflag:$0x2] =	stream.indirect_vreg.gather [hbm4b:s1+s3], $0x80, v60, vm0, $0xb8;
	[tilespmem:$0x18300] =	vst v63  }
0x1da: {  	v60 =	vld [tilespmem:$0x270];
	_ =	sdelay $0x4  }
0x1db: {  	v61 =	vshll.u32 v60, $0x1  }
0x1dc: {  	v60 =	vand.u32 $0x7, v60;
	v61 =	vand.u32 $0xFFFFFFF0, v61  }
0x1dd: {  	v60 =	vor.u32 v60, v61  }
0x1de: {  	v61 =	vperm.xlane v60, v5;
	_ =	sdelay $0x1  }
0x1df: {  	v60 =	vperm.xlane v60, v6;
	v61 =	vadd.s32 v7, v61;
	_ =	sdelay $0x1  }
0x1e0: {  	v60 =	vadd.s32 v7, v60;
	_ =	sdelay $0x1  }
0x1e1: {  	s6 =	simm.s32 $0xF300  }
0x1e2: {  	[tilespmem:s6], [sflag:$0x2] =	stream.indirect_vreg.gather [hbm4b:s1+s3], $0x80, v61, vm0, $0xb8;
	[tilespmem:$0x18300] =	vst v63  }
0x1e3: {  	s9 =	simm.s32 $0xFB00  }
0x1e4: {  	[tilespmem:s9], [sflag:$0x2] =	stream.indirect_vreg.gather [hbm4b:s1+s3], $0x80, v60, vm0, $0xb8;
	[tilespmem:$0x18300] =	vst v63  }
0x1e5: {  	_ =	swait.ge [sflag:s7], $0x8000  }
0x1e6: {  	[sflag:s7] =	ssyncset.done $0x0  }
0x1e7: {  	s6 =	rddreg [dreg:$0x4];
	[sflag:s7] =	ssyncadd.s32 $0xFFFF8000  }
0x1e8: {  	[hbm4b:s6+s3] =	stream.linear.scatter [tilespmem:s30], [sflag:$0x6], $0x8000, $0x38;
	[tilespmem:$0x18300] =	vst v63  }
0x1e9: {  	[tilespmem:$0x280] =	vst v47  }
0x1ea: {  	[tilespmem:$0x290] =	vst v48  }
0x1eb: {  	[tilespmem:$0x2A0] =	vst v49  }
0x1ec: {  	[tilespmem:$0x2B0] =	vst v50  }
0x1ed: {  	v60 =	vperm.xlane v55, v5;
	[tilespmem:$0x2C0] =	vst v51  }
0x1ee: {  	[tilespmem:$0x2D0] =	vst v52  }
0x1ef: {  	v61 =	vperm.xlane v55, v6;
	v60 =	vadd.s32 v7, v60;
	[tilespmem:$0x2E0] =	vst v53  }
0x1f0: {  	[tilespmem:$0x2F0] =	vst v54  }
0x1f1: {  	v61 =	vadd.s32 v7, v61;
	_ =	swait.ge [sflag:s8], $0x8000  }
0x1f2: {  	[sflag:s8] =	ssyncset.done $0x0  }
0x1f3: {  	[sflag:s8] =	ssyncadd.s32 $0xFFFF8000  }
0x1f4: {  	[tilespmem:s30], [sflag:$0x3] =	stream.indirect_vreg.gather [hbm4b:s1+s3], $0x80, v60, vm0, $0xb8;
	[tilespmem:$0x18300] =	vst v63  }
0x1f5: {  	s9 =	simm.s32 $0x10B00  }
0x1f6: {  	[tilespmem:s9], [sflag:$0x3] =	stream.indirect_vreg.gather [hbm4b:s1+s3], $0x80, v61, vm0, $0xb8;
	[tilespmem:$0x18300] =	vst v63  }
0x1f7: {  	v60 =	vld [tilespmem:$0x290];
	_ =	sdelay $0x4  }
0x1f8: {  	v61 =	vshll.u32 v60, $0x1  }
0x1f9: {  	v60 =	vand.u32 $0x7, v60;
	v61 =	vand.u32 $0xFFFFFFF0, v61  }
0x1fa: {  	v60 =	vor.u32 v60, v61  }
0x1fb: {  	v61 =	vperm.xlane v60, v5;
	_ =	sdelay $0x1  }
0x1fc: {  	v60 =	vperm.xlane v60, v6;
	v61 =	vadd.s32 v7, v61;
	_ =	sdelay $0x1  }
0x1fd: {  	v60 =	vadd.s32 v7, v60;
	_ =	sdelay $0x1  }
0x1fe: {  	s6 =	simm.s32 $0x11300  }
0x1ff: {  	[tilespmem:s6], [sflag:$0x3] =	stream.indirect_vreg.gather [hbm4b:s1+s3], $0x80, v61, vm0, $0xb8;
	[tilespmem:$0x18300] =	vst v63  }
0x200: {  	s9 =	simm.s32 $0x11B00  }
0x201: {  	[tilespmem:s9], [sflag:$0x3] =	stream.indirect_vreg.gather [hbm4b:s1+s3], $0x80, v60, vm0, $0xb8;
	[tilespmem:$0x18300] =	vst v63  }
0x202: {  	v60 =	vld [tilespmem:$0x2A0];
	_ =	sdelay $0x4  }
0x203: {  	v61 =	vshll.u32 v60, $0x1  }
0x204: {  	v60 =	vand.u32 $0x7, v60;
	v61 =	vand.u32 $0xFFFFFFF0, v61  }
0x205: {  	v60 =	vor.u32 v60, v61  }
0x206: {  	v61 =	vperm.xlane v60, v5;
	_ =	sdelay $0x1  }
0x207: {  	v60 =	vperm.xlane v60, v6;
	v61 =	vadd.s32 v7, v61;
	_ =	sdelay $0x1  }
0x208: {  	v60 =	vadd.s32 v7, v60;
	_ =	sdelay $0x1  }
0x209: {  	s6 =	simm.s32 $0x12300  }
0x20a: {  	[tilespmem:s6], [sflag:$0x3] =	stream.indirect_vreg.gather [hbm4b:s1+s3], $0x80, v61, vm0, $0xb8;
	[tilespmem:$0x18300] =	vst v63  }
0x20b: {  	s9 =	simm.s32 $0x12B00  }
0x20c: {  	[tilespmem:s9], [sflag:$0x3] =	stream.indirect_vreg.gather [hbm4b:s1+s3], $0x80, v60, vm0, $0xb8;
	[tilespmem:$0x18300] =	vst v63  }
0x20d: {  	v60 =	vld [tilespmem:$0x2B0];
	_ =	sdelay $0x4  }
0x20e: {  	v61 =	vshll.u32 v60, $0x1  }
0x20f: {  	v60 =	vand.u32 $0x7, v60;
	v61 =	vand.u32 $0xFFFFFFF0, v61  }
0x210: {  	v60 =	vor.u32 v60, v61  }
0x211: {  	v61 =	vperm.xlane v60, v5;
	_ =	sdelay $0x1  }
0x212: {  	v60 =	vperm.xlane v60, v6;
	v61 =	vadd.s32 v7, v61;
	_ =	sdelay $0x1  }
0x213: {  	v60 =	vadd.s32 v7, v60;
	_ =	sdelay $0x1  }
0x214: {  	s6 =	simm.s32 $0x13300  }
0x215: {  	[tilespmem:s6], [sflag:$0x3] =	stream.indirect_vreg.gather [hbm4b:s1+s3], $0x80, v61, vm0, $0xb8;
	[tilespmem:$0x18300] =	vst v63  }
0x216: {  	s9 =	simm.s32 $0x13B00  }
0x217: {  	[tilespmem:s9], [sflag:$0x3] =	stream.indirect_vreg.gather [hbm4b:s1+s3], $0x80, v60, vm0, $0xb8;
	[tilespmem:$0x18300] =	vst v63  }
0x218: {  	v60 =	vld [tilespmem:$0x2C0];
	_ =	sdelay $0x4  }
0x219: {  	v61 =	vshll.u32 v60, $0x1  }
0x21a: {  	v60 =	vand.u32 $0x7, v60;
	v61 =	vand.u32 $0xFFFFFFF0, v61  }
0x21b: {  	v60 =	vor.u32 v60, v61  }
0x21c: {  	v61 =	vperm.xlane v60, v5;
	_ =	sdelay $0x1  }
0x21d: {  	v60 =	vperm.xlane v60, v6;
	v61 =	vadd.s32 v7, v61;
	_ =	sdelay $0x1  }
0x21e: {  	v60 =	vadd.s32 v7, v60;
	_ =	sdelay $0x1  }
0x21f: {  	s6 =	simm.s32 $0x14300  }
0x220: {  	[tilespmem:s6], [sflag:$0x3] =	stream.indirect_vreg.gather [hbm4b:s1+s3], $0x80, v61, vm0, $0xb8;
	[tilespmem:$0x18300] =	vst v63  }
0x221: {  	s9 =	simm.s32 $0x14B00  }
0x222: {  	[tilespmem:s9], [sflag:$0x3] =	stream.indirect_vreg.gather [hbm4b:s1+s3], $0x80, v60, vm0, $0xb8;
	[tilespmem:$0x18300] =	vst v63  }
0x223: {  	v60 =	vld [tilespmem:$0x2D0];
	_ =	sdelay $0x4  }
0x224: {  	v61 =	vshll.u32 v60, $0x1  }
0x225: {  	v60 =	vand.u32 $0x7, v60;
	v61 =	vand.u32 $0xFFFFFFF0, v61  }
0x226: {  	v60 =	vor.u32 v60, v61  }
0x227: {  	v61 =	vperm.xlane v60, v5;
	_ =	sdelay $0x1  }
0x228: {  	v60 =	vperm.xlane v60, v6;
	v61 =	vadd.s32 v7, v61;
	_ =	sdelay $0x1  }
0x229: {  	v60 =	vadd.s32 v7, v60;
	_ =	sdelay $0x1  }
0x22a: {  	s6 =	simm.s32 $0x15300  }
0x22b: {  	[tilespmem:s6], [sflag:$0x3] =	stream.indirect_vreg.gather [hbm4b:s1+s3], $0x80, v61, vm0, $0xb8;
	[tilespmem:$0x18300] =	vst v63  }
0x22c: {  	s9 =	simm.s32 $0x15B00  }
0x22d: {  	[tilespmem:s9], [sflag:$0x3] =	stream.indirect_vreg.gather [hbm4b:s1+s3], $0x80, v60, vm0, $0xb8;
	[tilespmem:$0x18300] =	vst v63  }
0x22e: {  	v60 =	vld [tilespmem:$0x2E0];
	_ =	sdelay $0x4  }
0x22f: {  	v61 =	vshll.u32 v60, $0x1  }
0x230: {  	v60 =	vand.u32 $0x7, v60;
	v61 =	vand.u32 $0xFFFFFFF0, v61  }
0x231: {  	v60 =	vor.u32 v60, v61  }
0x232: {  	v61 =	vperm.xlane v60, v5;
	_ =	sdelay $0x1  }
0x233: {  	v60 =	vperm.xlane v60, v6;
	v61 =	vadd.s32 v7, v61;
	_ =	sdelay $0x1  }
0x234: {  	v60 =	vadd.s32 v7, v60;
	_ =	sdelay $0x1  }
0x235: {  	s6 =	simm.s32 $0x16300  }
0x236: {  	[tilespmem:s6], [sflag:$0x3] =	stream.indirect_vreg.gather [hbm4b:s1+s3], $0x80, v61, vm0, $0xb8;
	[tilespmem:$0x18300] =	vst v63  }
0x237: {  	s9 =	simm.s32 $0x16B00  }
0x238: {  	[tilespmem:s9], [sflag:$0x3] =	stream.indirect_vreg.gather [hbm4b:s1+s3], $0x80, v60, vm0, $0xb8;
	[tilespmem:$0x18300] =	vst v63  }
0x239: {  	v60 =	vld [tilespmem:$0x2F0];
	_ =	sdelay $0x4  }
0x23a: {  	v61 =	vshll.u32 v60, $0x1  }
0x23b: {  	v60 =	vand.u32 $0x7, v60;
	v61 =	vand.u32 $0xFFFFFFF0, v61  }
0x23c: {  	v60 =	vor.u32 v60, v61  }
0x23d: {  	v61 =	vperm.xlane v60, v5;
	_ =	sdelay $0x1  }
0x23e: {  	v60 =	vperm.xlane v60, v6;
	v61 =	vadd.s32 v7, v61;
	_ =	sdelay $0x1  }
0x23f: {  	v60 =	vadd.s32 v7, v60;
	_ =	sdelay $0x1  }
0x240: {  	s6 =	simm.s32 $0x17300  }
0x241: {  	[tilespmem:s6], [sflag:$0x3] =	stream.indirect_vreg.gather [hbm4b:s1+s3], $0x80, v61, vm0, $0xb8;
	[tilespmem:$0x18300] =	vst v63  }
0x242: {  	s9 =	simm.s32 $0x17B00  }
0x243: {  	[tilespmem:s9], [sflag:$0x3] =	stream.indirect_vreg.gather [hbm4b:s1+s3], $0x80, v60, vm0, $0xb8;
	[tilespmem:$0x18300] =	vst v63  }
0x244: {  	_ =	swait.ge [sflag:s22], $0x8000  }
0x245: {  	[sflag:s22] =	ssyncset.done $0x0  }
0x246: {  	s16 =	simm.s32 $0x300;
	s4 =	rddreg [dreg:$0x5];
	[sflag:s22] =	ssyncadd.s32 $0xFFFF8000  }
0x247: {  	[hbm4b:s4+s3] =	stream.linear.scatter [tilespmem:s16], [sflag:$0x4], $0x8000, $0x38;
	[tilespmem:$0x18300] =	vst v63  }
0x248: {  	_ =	swait.ge [sflag:s2], $0x8000  }
0x249: {  	[sflag:s2] =	ssyncset.done $0x0  }
0x24a: {  	s6 =	rddreg [dreg:$0x6];
	[sflag:s2] =	ssyncadd.s32 $0xFFFF8000  }
0x24b: {  	[hbm4b:s6+s3] =	stream.linear.scatter [tilespmem:s12], [sflag:$0x5], $0x8000, $0x38;
	[tilespmem:$0x18300] =	vst v63  }
0x24c: {  	_ =	swait.ge [sflag:s7], $0x8000  }
0x24d: {  	[sflag:s7] =	ssyncset.done $0x0  }
0x24e: {  	s16 =	rddreg [dreg:$0x7];
	[sflag:s7] =	ssyncadd.s32 $0xFFFF8000  }
0x24f: {  	[hbm4b:s16+s3] =	stream.linear.scatter [tilespmem:s30], [sflag:$0x6], $0x8000, $0x38;
	[tilespmem:$0x18300] =	vst v63  }
0x250: {  	_ =	swait.ge [sflag:s31], $0x8000  }
0x251: {  	[sflag:s31] =	ssyncset.done $0x0  }
0x252: {  	[sflag:s31] =	ssyncadd.s32 $0xFFFF8000  }
0x253: {  	p0 =	sne.s32 s5, $0x1;
	_ =	swait.ge [sflag:s0], $0x8000  }
.Ltmp0:
0x254: {  	[sflag:s0] =	ssyncset.done $0x0;
	(pc) =	sbr.rel @p0 .LBB2_1-.Ltmp0, $4  }
0x255: {  	[sflag:s0] =	ssyncadd.s32 $0xFFFF8000  }
0x256: {  	_ =	swait.ge [sflag:s8], $0x8000  }
0x257: {  	[sflag:s8] =	ssyncset.done $0x0  }
0x258: {  	s5 =	sadd.s32 $0xFFFFFFFF, s5;
	[sflag:s8] =	ssyncadd.s32 $0xFFFF8000  }
0x259: {  	_ =	sfence.sel $0x180000  }
0x25a: {  	[bflag:$0x0] =	sbarrier.arrive $0xFFFF  }
0x25b: {  	_ =	strace $0x90000047  }
0x25c: {  	s0 =	stileid.u32;
	[bflag:$0x2] =	sbarrier.arrive $0xFFFF  }
0x25d: {  	p0 =	sne.s32 s0, $0x0;
	s0 =	rddreg [dreg:$0x2]  }
0x25e: {  	s0 =	sadd.s32 @!p0 $0x100000, s0  }
0x25f: {  	[sflag:s0] =	ssyncadd.tile.s32 @!p0 $0x1;
	_ =	shalt  }
.Lfunc_end2:
_tile_overlayer_lowered:
.L_overlay_start_2:
0x260: {  	(tag) =	ssettag $0x2  }
0x261: {  	s0 =	rddreg [dreg:$0x0];
	s2 =	stileid.u32  }
0x262: {  	s1 =	rddreg [dreg:$0x1];
	p0 =	sne.s32 s2, $0x0  }
0x263: {  	s3 =	rddreg [dreg:$0x2];
	[bflag:$0x3] =	sbarrier.arrive $0xFFFF;
	s2 =	simm.s32 @!p0 $0x1C07  }
0x264: {  	[timem:s3], [sflag:s2] =	dma.local @!p0 [hbm:s0], s1  }
0x265: {  	s0 =	simm.s32 @!p0 $0x7  }
0x266: {  	_ =	swait.ge @!p0 [sflag:s0], s1  }
0x267: {  	s1 =	ssub.s32 @!p0 $0x0, s1;
	[sflag:s0] =	ssyncset.done @!p0 $0x0  }
0x268: {  	[sflag:s0] =	ssyncadd.s32 @!p0 s1  }
0x269: {  	[bflag:$0x3] =	sbarrier.arrive $0xFFFF  }
0x26a: {  	_ =	shalt  }

</sc_bundles>
